<compile_context>
chip_gen: v7x
topology: tpu7x:2x2x1
jax: 0.10.2.dev20260603
libtpu: 0.0.44.dev20260713+nightly
codegen_flags: <defaults>
</compile_context>

<pallas_src>
import functools

import jax
import jax.numpy as jnp
from jax import lax
from jax.experimental import pallas as pl
from jax.experimental.pallas import tpu as pltpu
from jax.experimental.pallas import tpu_sc as plsc

_B, _C, _N, _M = 8, 3, 16384, 1024
_NC, _NS, _L = 2, 16, 16
_BIG = 1e9


def _make_fps(B, C, N, M, interpret=False):
    SPB = (_NC * _NS) // B
    NLOC = N // SPB
    CHUNKS = NLOC // _L
    BG = B // _NC
    L = _L

    def body(x_hbm, out_hbm, xv, dist, outb, stage, cand, ptmp, shared):
        cid = lax.axis_index("c")
        sid = lax.axis_index("s")
        bg = sid // SPB
        w = sid % SPB
        b = cid * BG + bg
        base = w * NLOC

        lane_i = lax.iota(jnp.int32, L)
        lane_f = lane_i.astype(jnp.float32)
        zeros_i = jnp.zeros((L,), jnp.int32)
        lane0 = lane_i == 0
        row4 = jnp.minimum(lane_i, SPB - 1)
        valid4 = lane_i < SPB

        for c in range(C):
            pltpu.sync_copy(x_hbm.at[pl.ds((b * C + c) * N + base, NLOC)],
                            xv.at[pl.ds(c * NLOC, NLOC)])
            pltpu.sync_copy(x_hbm.at[pl.ds((b * C + c) * N, L)],
                            ptmp.at[pl.ds((c + 1) * L, L)])

        p0 = plsc.load_gather(ptmp, [zeros_i + L])
        p1 = plsc.load_gather(ptmp, [zeros_i + 2 * L])
        p2 = plsc.load_gather(ptmp, [zeros_i + 3 * L])

        plsc.store_scatter(outb, [zeros_i], p0, mask=lane0)
        plsc.store_scatter(outb, [zeros_i + M], p1, mask=lane0)
        plsc.store_scatter(outb, [zeros_i + 2 * M], p2, mask=lane0)

        inf16 = jnp.full((L,), jnp.inf, jnp.float32)

        def init_chunk(i, carry):
            dist[pl.ds(i * L, L)] = inf16
            return carry

        lax.fori_loop(0, CHUNKS, init_chunk, 0)

        basef = base.astype(jnp.float32)
        neg16 = jnp.full((L,), -jnp.inf, jnp.float32)
        zero16 = jnp.zeros((L,), jnp.float32)

        UNROLL = 4

        def step(s, carry):
            q0, q1, q2 = carry

            def chunk(i, acc):
                acc = list(acc)
                for u in range(UNROLL):
                    bv, bi = acc[2 * u], acc[2 * u + 1]
                    off = (i * UNROLL + u) * L
                    t0 = xv[pl.ds(off, L)] - q0
                    t1 = xv[pl.ds(NLOC + off, L)] - q1
                    t2 = xv[pl.ds(2 * NLOC + off, L)] - q2
                    d = t0 * t0 + t1 * t1
                    d = d + t2 * t2
                    nd = jnp.minimum(dist[pl.ds(off, L)], d)
                    dist[pl.ds(off, L)] = nd
                    iv = lane_f + (base + off).astype(jnp.float32)
                    m = nd > bv
                    acc[2 * u] = jnp.where(m, nd, bv)
                    acc[2 * u + 1] = jnp.where(m, iv, bi)
                return tuple(acc)

            acc = plsc.parallel_loop(
                0, CHUNKS // UNROLL // 2, step=1, unroll=2,
                carry=(neg16, zero16) * UNROLL)(chunk)

            bv, bi = acc[0], acc[1]
            for u in range(1, UNROLL):
                ov, oi = acc[2 * u], acc[2 * u + 1]
                m = (ov > bv) | ((ov == bv) & (oi < bi))
                bv = jnp.where(m, ov, bv)
                bi = jnp.where(m, oi, bi)

            lm = jnp.max(bv)
            li = jnp.min(jnp.where(bv == lm, bi, _BIG))
            loff = jnp.full((L,), (li - basef).astype(jnp.int32), jnp.int32)
            lpx = plsc.load_gather(xv, [loff])
            lpy = plsc.load_gather(xv, [loff + NLOC])
            lpz = plsc.load_gather(xv, [loff + 2 * NLOC])
            rec = jnp.where(lane_i == 0, lm,
                  jnp.where(lane_i == 1, li,
                  jnp.where(lane_i == 2, lpx,
                  jnp.where(lane_i == 3, lpy,
                  jnp.where(lane_i == 4, lpz, 0.0)))))
            stage[...] = rec

            par = s % 2
            slot = ((par * BG + bg) * SPB + w) * L
            pltpu.sync_copy(stage, shared.at[pl.ds(slot, L)])
            plsc.subcore_barrier()
            gslot = (par * BG + bg) * SPB * L
            pltpu.sync_copy(shared.at[pl.ds(gslot, SPB * L)], cand)

            rbase = row4 * L
            vals = plsc.load_gather(cand, [rbase])
            idxs = plsc.load_gather(cand, [rbase + 1])
            pxs = plsc.load_gather(cand, [rbase + 2])
            pys = plsc.load_gather(cand, [rbase + 3])
            pzs = plsc.load_gather(cand, [rbase + 4])
            gm = jnp.max(jnp.where(valid4, vals, -jnp.inf))
            gi = jnp.min(jnp.where(valid4 & (vals == gm), idxs, _BIG))
            wmask = valid4 & (idxs == gi)
            px = jnp.max(jnp.where(wmask, pxs, -jnp.inf))
            py = jnp.max(jnp.where(wmask, pys, -jnp.inf))
            pz = jnp.max(jnp.where(wmask, pzs, -jnp.inf))

            nq0 = jnp.full((L,), px, jnp.float32)
            nq1 = jnp.full((L,), py, jnp.float32)
            nq2 = jnp.full((L,), pz, jnp.float32)
            ks = jnp.full((L,), s + 1, jnp.int32)
            plsc.store_scatter(outb, [ks], nq0, mask=lane0)
            plsc.store_scatter(outb, [ks + M], nq1, mask=lane0)
            plsc.store_scatter(outb, [ks + 2 * M], nq2, mask=lane0)
            return (nq0, nq1, nq2)

        lax.fori_loop(0, M - 1, step, (p0, p1, p2))

        @pl.when(w == 0)
        def _():
            for c in range(C):
                pltpu.sync_copy(outb.at[pl.ds(c * M, M)],
                                out_hbm.at[pl.ds((b * C + c) * M, M)])

    return pl.kernel(
        body,
        out_type=jax.ShapeDtypeStruct((B * C * M,), jnp.float32),
        mesh=plsc.VectorSubcoreMesh(
            core_axis_name="c", subcore_axis_name="s",
            num_cores=_NC, num_subcores=_NS),
        scratch_types=[
            pltpu.VMEM((C * NLOC,), jnp.float32),
            pltpu.VMEM((NLOC,), jnp.float32),
            pltpu.VMEM((C * M,), jnp.float32),
            pltpu.VMEM((L,), jnp.float32),
            pltpu.VMEM((SPB * L,), jnp.float32),
            pltpu.VMEM(((C + 1) * L,), jnp.float32),
            pltpu.VMEM_SHARED((2 * BG * SPB * L,), jnp.float32),
        ],
        compiler_params=pltpu.CompilerParams(needs_layout_passes=False),
        interpret=interpret,
    )


_fps = _make_fps(_B, _C, _N, _M)


def kernel(x):
    return _fps(x.reshape(-1)).reshape(_B, _C, _M)

# --- scband reference (transcript-rebuilt; emitter-appended) ---
"""Pipeline reference for scband-fpssampler-31945966748026 (READ-ONLY COPY).

The authoritative reference and input builder live on the scoring server;
editing this copy changes nothing except your own understanding.
"""

import jax, jax.numpy as jnp
import numpy as np

NUM_OUT_POINTS = 1024


def setup_inputs(seed: int = 0) -> dict:
    key = jax.random.key(seed)
    x = jax.random.normal(key, (8, 3, 16384), dtype=jnp.float32)
    return {"x": x}


def _fps_indices(x):
    # x: [B, C, N] -> farthest point sampling indices [B, m]
    pts = jnp.transpose(x, (0, 2, 1))  # [B, N, C]
    B, N, C = pts.shape

    def step(carry, _):
        dist, last_idx = carry
        last_pt = jnp.take_along_axis(pts, jnp.broadcast_to(last_idx[:, None, None], (B, 1, C)), axis=1)  # [B,1,C]
        d = jnp.sum((pts - last_pt) ** 2, axis=-1)  # [B, N]
        dist = jnp.minimum(dist, d)
        nxt = jnp.argmax(dist, axis=-1).astype(jnp.int32)
        return (dist, nxt), last_idx

    init = (jnp.full((B, N), jnp.inf, dtype=x.dtype), jnp.zeros((B,), dtype=jnp.int32))
    (_, _), idxs = jax.lax.scan(step, init, None, length=NUM_OUT_POINTS)
    return jnp.transpose(idxs, (1, 0))  # [B, m]


def reference(x):
    # input_shape == 'bcn', permute == False, output_shape == 'bcn'
    idx = _fps_indices(x)  # [B, m]
    B, C, _ = x.shape
    m = idx.shape[1]
    gidx = jnp.broadcast_to(idx[:, None, :], (B, C, m))
    y = jnp.take_along_axis(x, gidx, axis=2)  # gather sampled points: [B, C, m]
    return y

if __name__ == "__main__":
    import jax
    _d = setup_inputs()
    print(jax.jit(kernel)(*tuple(_d.values())))

</pallas_src>

<mosaic_0001>
#map = affine_map<(d0, d1) -> (0)>
module attributes {stable_mosaic.version = 14 : i64} {
  func.func @body(%arg0: i32, %arg1: i32, %arg2: memref<393216xf32, #tpu.memory_space<hbm>>, %arg3: memref<24576xf32, #tpu.memory_space<hbm>>, %arg4: memref<12288xf32, #tpu.memory_space<vmem>>, %arg5: memref<4096xf32, #tpu.memory_space<vmem>>, %arg6: memref<3072xf32, #tpu.memory_space<vmem>>, %arg7: memref<16xf32, #tpu.memory_space<vmem>>, %arg8: memref<64xf32, #tpu.memory_space<vmem>>, %arg9: memref<64xf32, #tpu.memory_space<vmem>>, %arg10: memref<512xf32, #tpu.memory_space<vmem_shared>>) attributes {dimension_semantics = [#tpu.dimension_semantics<core_parallel>, #tpu.dimension_semantics<subcore_parallel>], iteration_bounds = array<i64: 2, 16>, scalar_prefetch = 0 : i64, scratch_operands = 7 : i64, tpu.core_type = #tpu.core_type<sc_vector_subcore>, window_params = [{transform_indices = #map}, {transform_indices = #map}]} {
    %jit3A = arith.constant 4 : i32
    %div3A = arith.divsi %arg1, %jit3A : i32
    %sign3A = arith.constant 0 : i32
    %sign3A_0 = arith.cmpi sgt, %arg1, %sign3A : i32
    %sign3A_1 = arith.extui %sign3A_0 : i1 to i32
    %sign3A_2 = arith.constant 0 : i32
    %sign3A_3 = arith.cmpi slt, %arg1, %sign3A_2 : i32
    %sign3A_4 = arith.extui %sign3A_3 : i1 to i32
    %sign3A_5 = arith.subi %sign3A_1, %sign3A_4 : i32
    %sign3A_6 = arith.constant 0 : i32
    %sign3A_7 = arith.cmpi sgt, %jit3A, %sign3A_6 : i32
    %sign3A_8 = arith.extui %sign3A_7 : i1 to i32
    %sign3A_9 = arith.constant 0 : i32
    %sign3A_10 = arith.cmpi slt, %jit3A, %sign3A_9 : i32
    %sign3A_11 = arith.extui %sign3A_10 : i1 to i32
    %sign3A_12 = arith.subi %sign3A_8, %sign3A_11 : i32
    %ne3A = arith.cmpi ne, %sign3A_5, %sign3A_12 : i32
    %rem3A = arith.remsi %arg1, %jit3A : i32
    %ne3A_13 = arith.constant 0 : i32
    %ne3A_14 = arith.cmpi ne, %rem3A, %ne3A_13 : i32
    %and3A = arith.andi %ne3A, %ne3A_14 : i1
    %sub3A = arith.constant 1 : i32
    %sub3A_15 = arith.subi %div3A, %sub3A : i32
    %select_n3A = arith.select %and3A, %sub3A_15, %div3A : i32
    %jit3A_16 = arith.constant 4 : i32
    %eq3A = arith.constant 0 : i32
    %eq3A_17 = arith.cmpi eq, %jit3A_16, %eq3A : i32
    %jit3A_18 = arith.constant 1 : i32
    %select_n3A_19 = arith.select %eq3A_17, %jit3A_18, %jit3A_16 : i32
    %rem3A_20 = arith.remsi %arg1, %select_n3A_19 : i32
    %ne3A_21 = arith.constant 0 : i32
    %ne3A_22 = arith.cmpi ne, %rem3A_20, %ne3A_21 : i32
    %lt3A = arith.constant 0 : i32
    %lt3A_23 = arith.cmpi slt, %rem3A_20, %lt3A : i32
    %lt3A_24 = arith.constant 0 : i32
    %lt3A_25 = arith.cmpi slt, %select_n3A_19, %lt3A_24 : i32
    %ne3A_26 = arith.xori %lt3A_23, %lt3A_25 : i1
    %and3A_27 = arith.andi %ne3A_26, %ne3A_22 : i1
    %add3A = arith.addi %rem3A_20, %select_n3A_19 : i32
    %select_n3A_28 = arith.select %and3A_27, %add3A, %rem3A_20 : i32
    %mul3A = arith.constant 4 : i32
    %mul3A_29 = arith.muli %arg0, %mul3A : i32
    %add3A_30 = arith.addi %mul3A_29, %select_n3A : i32
    %mul3A_31 = arith.constant 4096 : i32
    %mul3A_32 = arith.muli %select_n3A_28, %mul3A_31 : i32
    %iota3A = tpu.iota {dimensions = array<i32: 0>} : vector<16xi32>
    %convert_element_type3A = arith.sitofp %iota3A : vector<16xi32> to vector<16xf32>
    %broadcast_in_dim3A = arith.constant 0 : i32
    %broadcast_in_dim3A_33 = vector.broadcast %broadcast_in_dim3A : i32 to vector<16xi32>
    %eq3A_34 = arith.constant 0 : i32
    %eq3A_35 = vector.broadcast %eq3A_34 : i32 to vector<16xi32>
    %eq3A_36 = arith.cmpi eq, %iota3A, %eq3A_35 : vector<16xi32>
    %min3A = arith.constant 3 : i32
    %min3A_37 = vector.broadcast %min3A : i32 to vector<16xi32>
    %min3A_38 = arith.minsi %iota3A, %min3A_37 : vector<16xi32>
    %lt3A_39 = arith.constant 4 : i32
    %lt3A_40 = vector.broadcast %lt3A_39 : i32 to vector<16xi32>
    %lt3A_41 = arith.cmpi slt, %iota3A, %lt3A_40 : vector<16xi32>
    %mul3A_42 = arith.constant 3 : i32
    %mul3A_43 = arith.muli %add3A_30, %mul3A_42 : i32
    %add3A_44 = arith.constant 0 : i32
    %add3A_45 = arith.addi %mul3A_43, %add3A_44 : i32
    %mul3A_46 = arith.constant 16384 : i32
    %mul3A_47 = arith.muli %add3A_45, %mul3A_46 : i32
    %add3A_48 = arith.addi %mul3A_47, %mul3A_32 : i32
    "tpu.region"() ({
      %run_scoped3A = tpu.sem_alloc : memref<!tpu.dma_semaphore, #tpu.memory_space<semaphore_mem>>
      %dma_start3A = arith.constant 0 : i32
      %dma_start3A_120 = tpu.memref_slice %arg4[%dma_start3A] : memref<12288xf32, #tpu.memory_space<vmem>> -> memref<4096xf32, #tpu.memory_space<vmem>>
      %dma_start3A_121 = tpu.memref_slice %arg2[%add3A_48] : memref<393216xf32, #tpu.memory_space<hbm>> -> memref<4096xf32, #tpu.memory_space<hbm>>
      %dma_start3A_122 = arith.constant 0 : i32
      %dma_start3A_123 = tpu.memref_slice %arg4[%dma_start3A_122] : memref<12288xf32, #tpu.memory_space<vmem>> -> memref<4096xf32, #tpu.memory_space<vmem>>
      %dma_start3A_124 = tpu.memref_slice %arg2[%add3A_48] : memref<393216xf32, #tpu.memory_space<hbm>> -> memref<4096xf32, #tpu.memory_space<hbm>>
      tpu.enqueue_dma source(%dma_start3A_124 : memref<4096xf32, #tpu.memory_space<hbm>>) target(%dma_start3A_123 : memref<4096xf32, #tpu.memory_space<vmem>>) target_semaphore(%run_scoped3A : memref<!tpu.dma_semaphore, #tpu.memory_space<semaphore_mem>>)
      %dma_wait3A = arith.constant 0 : i32
      %dma_wait3A_125 = tpu.memref_slice %arg4[%dma_wait3A] : memref<12288xf32, #tpu.memory_space<vmem>> -> memref<4096xf32, #tpu.memory_space<vmem>>
      %dma_wait3A_126 = tpu.memref_slice %arg2[%add3A_48] : memref<393216xf32, #tpu.memory_space<hbm>> -> memref<4096xf32, #tpu.memory_space<hbm>>
      %dma_wait3A_127 = arith.constant 0 : i32
      %dma_wait3A_128 = tpu.memref_slice %arg4[%dma_wait3A_127] : memref<12288xf32, #tpu.memory_space<vmem>> -> memref<4096xf32, #tpu.memory_space<vmem>>
      %dma_wait3A_129 = tpu.memref_slice %arg2[%add3A_48] : memref<393216xf32, #tpu.memory_space<hbm>> -> memref<4096xf32, #tpu.memory_space<hbm>>
      tpu.wait_dma2 semaphore(%run_scoped3A : memref<!tpu.dma_semaphore, #tpu.memory_space<semaphore_mem>>) src(%dma_wait3A_129 : memref<4096xf32, #tpu.memory_space<hbm>>) dst(%dma_wait3A_128 : memref<4096xf32, #tpu.memory_space<vmem>>)
      tpu.yield
    }) : () -> ()
    %mul3A_49 = arith.constant 3 : i32
    %mul3A_50 = arith.muli %add3A_30, %mul3A_49 : i32
    %add3A_51 = arith.constant 0 : i32
    %add3A_52 = arith.addi %mul3A_50, %add3A_51 : i32
    %mul3A_53 = arith.constant 16384 : i32
    %mul3A_54 = arith.muli %add3A_52, %mul3A_53 : i32
    "tpu.region"() ({
      %run_scoped3A = tpu.sem_alloc : memref<!tpu.dma_semaphore, #tpu.memory_space<semaphore_mem>>
      %dma_start3A = arith.constant 16 : i32
      %dma_start3A_120 = tpu.memref_slice %arg9[%dma_start3A] : memref<64xf32, #tpu.memory_space<vmem>> -> memref<16xf32, #tpu.memory_space<vmem>>
      %dma_start3A_121 = tpu.memref_slice %arg2[%mul3A_54] : memref<393216xf32, #tpu.memory_space<hbm>> -> memref<16xf32, #tpu.memory_space<hbm>>
      %dma_start3A_122 = arith.constant 16 : i32
      %dma_start3A_123 = tpu.memref_slice %arg9[%dma_start3A_122] : memref<64xf32, #tpu.memory_space<vmem>> -> memref<16xf32, #tpu.memory_space<vmem>>
      %dma_start3A_124 = tpu.memref_slice %arg2[%mul3A_54] : memref<393216xf32, #tpu.memory_space<hbm>> -> memref<16xf32, #tpu.memory_space<hbm>>
      tpu.enqueue_dma source(%dma_start3A_124 : memref<16xf32, #tpu.memory_space<hbm>>) target(%dma_start3A_123 : memref<16xf32, #tpu.memory_space<vmem>>) target_semaphore(%run_scoped3A : memref<!tpu.dma_semaphore, #tpu.memory_space<semaphore_mem>>)
      %dma_wait3A = arith.constant 16 : i32
      %dma_wait3A_125 = tpu.memref_slice %arg9[%dma_wait3A] : memref<64xf32, #tpu.memory_space<vmem>> -> memref<16xf32, #tpu.memory_space<vmem>>
      %dma_wait3A_126 = tpu.memref_slice %arg2[%mul3A_54] : memref<393216xf32, #tpu.memory_space<hbm>> -> memref<16xf32, #tpu.memory_space<hbm>>
      %dma_wait3A_127 = arith.constant 16 : i32
      %dma_wait3A_128 = tpu.memref_slice %arg9[%dma_wait3A_127] : memref<64xf32, #tpu.memory_space<vmem>> -> memref<16xf32, #tpu.memory_space<vmem>>
      %dma_wait3A_129 = tpu.memref_slice %arg2[%mul3A_54] : memref<393216xf32, #tpu.memory_space<hbm>> -> memref<16xf32, #tpu.memory_space<hbm>>
      tpu.wait_dma2 semaphore(%run_scoped3A : memref<!tpu.dma_semaphore, #tpu.memory_space<semaphore_mem>>) src(%dma_wait3A_129 : memref<16xf32, #tpu.memory_space<hbm>>) dst(%dma_wait3A_128 : memref<16xf32, #tpu.memory_space<vmem>>)
      tpu.yield
    }) : () -> ()
    %mul3A_55 = arith.constant 3 : i32
    %mul3A_56 = arith.muli %add3A_30, %mul3A_55 : i32
    %add3A_57 = arith.constant 1 : i32
    %add3A_58 = arith.addi %mul3A_56, %add3A_57 : i32
    %mul3A_59 = arith.constant 16384 : i32
    %mul3A_60 = arith.muli %add3A_58, %mul3A_59 : i32
    %add3A_61 = arith.addi %mul3A_60, %mul3A_32 : i32
    "tpu.region"() ({
      %run_scoped3A = tpu.sem_alloc : memref<!tpu.dma_semaphore, #tpu.memory_space<semaphore_mem>>
      %dma_start3A = arith.constant 4096 : i32
      %dma_start3A_120 = tpu.memref_slice %arg4[%dma_start3A] : memref<12288xf32, #tpu.memory_space<vmem>> -> memref<4096xf32, #tpu.memory_space<vmem>>
      %dma_start3A_121 = tpu.memref_slice %arg2[%add3A_61] : memref<393216xf32, #tpu.memory_space<hbm>> -> memref<4096xf32, #tpu.memory_space<hbm>>
      %dma_start3A_122 = arith.constant 4096 : i32
      %dma_start3A_123 = tpu.memref_slice %arg4[%dma_start3A_122] : memref<12288xf32, #tpu.memory_space<vmem>> -> memref<4096xf32, #tpu.memory_space<vmem>>
      %dma_start3A_124 = tpu.memref_slice %arg2[%add3A_61] : memref<393216xf32, #tpu.memory_space<hbm>> -> memref<4096xf32, #tpu.memory_space<hbm>>
      tpu.enqueue_dma source(%dma_start3A_124 : memref<4096xf32, #tpu.memory_space<hbm>>) target(%dma_start3A_123 : memref<4096xf32, #tpu.memory_space<vmem>>) target_semaphore(%run_scoped3A : memref<!tpu.dma_semaphore, #tpu.memory_space<semaphore_mem>>)
      %dma_wait3A = arith.constant 4096 : i32
      %dma_wait3A_125 = tpu.memref_slice %arg4[%dma_wait3A] : memref<12288xf32, #tpu.memory_space<vmem>> -> memref<4096xf32, #tpu.memory_space<vmem>>
      %dma_wait3A_126 = tpu.memref_slice %arg2[%add3A_61] : memref<393216xf32, #tpu.memory_space<hbm>> -> memref<4096xf32, #tpu.memory_space<hbm>>
      %dma_wait3A_127 = arith.constant 4096 : i32
      %dma_wait3A_128 = tpu.memref_slice %arg4[%dma_wait3A_127] : memref<12288xf32, #tpu.memory_space<vmem>> -> memref<4096xf32, #tpu.memory_space<vmem>>
      %dma_wait3A_129 = tpu.memref_slice %arg2[%add3A_61] : memref<393216xf32, #tpu.memory_space<hbm>> -> memref<4096xf32, #tpu.memory_space<hbm>>
      tpu.wait_dma2 semaphore(%run_scoped3A : memref<!tpu.dma_semaphore, #tpu.memory_space<semaphore_mem>>) src(%dma_wait3A_129 : memref<4096xf32, #tpu.memory_space<hbm>>) dst(%dma_wait3A_128 : memref<4096xf32, #tpu.memory_space<vmem>>)
      tpu.yield
    }) : () -> ()
    %mul3A_62 = arith.constant 3 : i32
    %mul3A_63 = arith.muli %add3A_30, %mul3A_62 : i32
    %add3A_64 = arith.constant 1 : i32
    %add3A_65 = arith.addi %mul3A_63, %add3A_64 : i32
    %mul3A_66 = arith.constant 16384 : i32
    %mul3A_67 = arith.muli %add3A_65, %mul3A_66 : i32
    "tpu.region"() ({
      %run_scoped3A = tpu.sem_alloc : memref<!tpu.dma_semaphore, #tpu.memory_space<semaphore_mem>>
      %dma_start3A = arith.constant 32 : i32
      %dma_start3A_120 = tpu.memref_slice %arg9[%dma_start3A] : memref<64xf32, #tpu.memory_space<vmem>> -> memref<16xf32, #tpu.memory_space<vmem>>
      %dma_start3A_121 = tpu.memref_slice %arg2[%mul3A_67] : memref<393216xf32, #tpu.memory_space<hbm>> -> memref<16xf32, #tpu.memory_space<hbm>>
      %dma_start3A_122 = arith.constant 32 : i32
      %dma_start3A_123 = tpu.memref_slice %arg9[%dma_start3A_122] : memref<64xf32, #tpu.memory_space<vmem>> -> memref<16xf32, #tpu.memory_space<vmem>>
      %dma_start3A_124 = tpu.memref_slice %arg2[%mul3A_67] : memref<393216xf32, #tpu.memory_space<hbm>> -> memref<16xf32, #tpu.memory_space<hbm>>
      tpu.enqueue_dma source(%dma_start3A_124 : memref<16xf32, #tpu.memory_space<hbm>>) target(%dma_start3A_123 : memref<16xf32, #tpu.memory_space<vmem>>) target_semaphore(%run_scoped3A : memref<!tpu.dma_semaphore, #tpu.memory_space<semaphore_mem>>)
      %dma_wait3A = arith.constant 32 : i32
      %dma_wait3A_125 = tpu.memref_slice %arg9[%dma_wait3A] : memref<64xf32, #tpu.memory_space<vmem>> -> memref<16xf32, #tpu.memory_space<vmem>>
      %dma_wait3A_126 = tpu.memref_slice %arg2[%mul3A_67] : memref<393216xf32, #tpu.memory_space<hbm>> -> memref<16xf32, #tpu.memory_space<hbm>>
      %dma_wait3A_127 = arith.constant 32 : i32
      %dma_wait3A_128 = tpu.memref_slice %arg9[%dma_wait3A_127] : memref<64xf32, #tpu.memory_space<vmem>> -> memref<16xf32, #tpu.memory_space<vmem>>
      %dma_wait3A_129 = tpu.memref_slice %arg2[%mul3A_67] : memref<393216xf32, #tpu.memory_space<hbm>> -> memref<16xf32, #tpu.memory_space<hbm>>
      tpu.wait_dma2 semaphore(%run_scoped3A : memref<!tpu.dma_semaphore, #tpu.memory_space<semaphore_mem>>) src(%dma_wait3A_129 : memref<16xf32, #tpu.memory_space<hbm>>) dst(%dma_wait3A_128 : memref<16xf32, #tpu.memory_space<vmem>>)
      tpu.yield
    }) : () -> ()
    %mul3A_68 = arith.constant 3 : i32
    %mul3A_69 = arith.muli %add3A_30, %mul3A_68 : i32
    %add3A_70 = arith.constant 2 : i32
    %add3A_71 = arith.addi %mul3A_69, %add3A_70 : i32
    %mul3A_72 = arith.constant 16384 : i32
    %mul3A_73 = arith.muli %add3A_71, %mul3A_72 : i32
    %add3A_74 = arith.addi %mul3A_73, %mul3A_32 : i32
    "tpu.region"() ({
      %run_scoped3A = tpu.sem_alloc : memref<!tpu.dma_semaphore, #tpu.memory_space<semaphore_mem>>
      %dma_start3A = arith.constant 8192 : i32
      %dma_start3A_120 = tpu.memref_slice %arg4[%dma_start3A] : memref<12288xf32, #tpu.memory_space<vmem>> -> memref<4096xf32, #tpu.memory_space<vmem>>
      %dma_start3A_121 = tpu.memref_slice %arg2[%add3A_74] : memref<393216xf32, #tpu.memory_space<hbm>> -> memref<4096xf32, #tpu.memory_space<hbm>>
      %dma_start3A_122 = arith.constant 8192 : i32
      %dma_start3A_123 = tpu.memref_slice %arg4[%dma_start3A_122] : memref<12288xf32, #tpu.memory_space<vmem>> -> memref<4096xf32, #tpu.memory_space<vmem>>
      %dma_start3A_124 = tpu.memref_slice %arg2[%add3A_74] : memref<393216xf32, #tpu.memory_space<hbm>> -> memref<4096xf32, #tpu.memory_space<hbm>>
      tpu.enqueue_dma source(%dma_start3A_124 : memref<4096xf32, #tpu.memory_space<hbm>>) target(%dma_start3A_123 : memref<4096xf32, #tpu.memory_space<vmem>>) target_semaphore(%run_scoped3A : memref<!tpu.dma_semaphore, #tpu.memory_space<semaphore_mem>>)
      %dma_wait3A = arith.constant 8192 : i32
      %dma_wait3A_125 = tpu.memref_slice %arg4[%dma_wait3A] : memref<12288xf32, #tpu.memory_space<vmem>> -> memref<4096xf32, #tpu.memory_space<vmem>>
      %dma_wait3A_126 = tpu.memref_slice %arg2[%add3A_74] : memref<393216xf32, #tpu.memory_space<hbm>> -> memref<4096xf32, #tpu.memory_space<hbm>>
      %dma_wait3A_127 = arith.constant 8192 : i32
      %dma_wait3A_128 = tpu.memref_slice %arg4[%dma_wait3A_127] : memref<12288xf32, #tpu.memory_space<vmem>> -> memref<4096xf32, #tpu.memory_space<vmem>>
      %dma_wait3A_129 = tpu.memref_slice %arg2[%add3A_74] : memref<393216xf32, #tpu.memory_space<hbm>> -> memref<4096xf32, #tpu.memory_space<hbm>>
      tpu.wait_dma2 semaphore(%run_scoped3A : memref<!tpu.dma_semaphore, #tpu.memory_space<semaphore_mem>>) src(%dma_wait3A_129 : memref<4096xf32, #tpu.memory_space<hbm>>) dst(%dma_wait3A_128 : memref<4096xf32, #tpu.memory_space<vmem>>)
      tpu.yield
    }) : () -> ()
    %mul3A_75 = arith.constant 3 : i32
    %mul3A_76 = arith.muli %add3A_30, %mul3A_75 : i32
    %add3A_77 = arith.constant 2 : i32
    %add3A_78 = arith.addi %mul3A_76, %add3A_77 : i32
    %mul3A_79 = arith.constant 16384 : i32
    %mul3A_80 = arith.muli %add3A_78, %mul3A_79 : i32
    "tpu.region"() ({
      %run_scoped3A = tpu.sem_alloc : memref<!tpu.dma_semaphore, #tpu.memory_space<semaphore_mem>>
      %dma_start3A = arith.constant 48 : i32
      %dma_start3A_120 = tpu.memref_slice %arg9[%dma_start3A] : memref<64xf32, #tpu.memory_space<vmem>> -> memref<16xf32, #tpu.memory_space<vmem>>
      %dma_start3A_121 = tpu.memref_slice %arg2[%mul3A_80] : memref<393216xf32, #tpu.memory_space<hbm>> -> memref<16xf32, #tpu.memory_space<hbm>>
      %dma_start3A_122 = arith.constant 48 : i32
      %dma_start3A_123 = tpu.memref_slice %arg9[%dma_start3A_122] : memref<64xf32, #tpu.memory_space<vmem>> -> memref<16xf32, #tpu.memory_space<vmem>>
      %dma_start3A_124 = tpu.memref_slice %arg2[%mul3A_80] : memref<393216xf32, #tpu.memory_space<hbm>> -> memref<16xf32, #tpu.memory_space<hbm>>
      tpu.enqueue_dma source(%dma_start3A_124 : memref<16xf32, #tpu.memory_space<hbm>>) target(%dma_start3A_123 : memref<16xf32, #tpu.memory_space<vmem>>) target_semaphore(%run_scoped3A : memref<!tpu.dma_semaphore, #tpu.memory_space<semaphore_mem>>)
      %dma_wait3A = arith.constant 48 : i32
      %dma_wait3A_125 = tpu.memref_slice %arg9[%dma_wait3A] : memref<64xf32, #tpu.memory_space<vmem>> -> memref<16xf32, #tpu.memory_space<vmem>>
      %dma_wait3A_126 = tpu.memref_slice %arg2[%mul3A_80] : memref<393216xf32, #tpu.memory_space<hbm>> -> memref<16xf32, #tpu.memory_space<hbm>>
      %dma_wait3A_127 = arith.constant 48 : i32
      %dma_wait3A_128 = tpu.memref_slice %arg9[%dma_wait3A_127] : memref<64xf32, #tpu.memory_space<vmem>> -> memref<16xf32, #tpu.memory_space<vmem>>
      %dma_wait3A_129 = tpu.memref_slice %arg2[%mul3A_80] : memref<393216xf32, #tpu.memory_space<hbm>> -> memref<16xf32, #tpu.memory_space<hbm>>
      tpu.wait_dma2 semaphore(%run_scoped3A : memref<!tpu.dma_semaphore, #tpu.memory_space<semaphore_mem>>) src(%dma_wait3A_129 : memref<16xf32, #tpu.memory_space<hbm>>) dst(%dma_wait3A_128 : memref<16xf32, #tpu.memory_space<vmem>>)
      tpu.yield
    }) : () -> ()
    %add3A_81 = arith.constant 16 : i32
    %add3A_82 = vector.broadcast %add3A_81 : i32 to vector<16xi32>
    %add3A_83 = arith.addi %broadcast_in_dim3A_33, %add3A_82 : vector<16xi32>
    %gather3A = tpu.vector_load_idx %arg9[%add3A_83] : memref<64xf32, #tpu.memory_space<vmem>>[vector<16xi32>], vector<16xf32>,
    %add3A_84 = arith.constant 32 : i32
    %add3A_85 = vector.broadcast %add3A_84 : i32 to vector<16xi32>
    %add3A_86 = arith.addi %broadcast_in_dim3A_33, %add3A_85 : vector<16xi32>
    %gather3A_87 = tpu.vector_load_idx %arg9[%add3A_86] : memref<64xf32, #tpu.memory_space<vmem>>[vector<16xi32>], vector<16xf32>,
    %add3A_88 = arith.constant 48 : i32
    %add3A_89 = vector.broadcast %add3A_88 : i32 to vector<16xi32>
    %add3A_90 = arith.addi %broadcast_in_dim3A_33, %add3A_89 : vector<16xi32>
    %gather3A_91 = tpu.vector_load_idx %arg9[%add3A_90] : memref<64xf32, #tpu.memory_space<vmem>>[vector<16xi32>], vector<16xf32>,
    tpu.vector_store_idx %arg6[%broadcast_in_dim3A_33], %gather3A masked %eq3A_36 : memref<3072xf32, #tpu.memory_space<vmem>>[vector<16xi32>], vector<16xf32>, vector<16xi1>
    %add3A_92 = arith.constant 1024 : i32
    %add3A_93 = vector.broadcast %add3A_92 : i32 to vector<16xi32>
    %add3A_94 = arith.addi %broadcast_in_dim3A_33, %add3A_93 : vector<16xi32>
    tpu.vector_store_idx %arg6[%add3A_94], %gather3A_87 masked %eq3A_36 : memref<3072xf32, #tpu.memory_space<vmem>>[vector<16xi32>], vector<16xf32>, vector<16xi1>
    %add3A_95 = arith.constant 2048 : i32
    %add3A_96 = vector.broadcast %add3A_95 : i32 to vector<16xi32>
    %add3A_97 = arith.addi %broadcast_in_dim3A_33, %add3A_96 : vector<16xi32>
    tpu.vector_store_idx %arg6[%add3A_97], %gather3A_91 masked %eq3A_36 : memref<3072xf32, #tpu.memory_space<vmem>>[vector<16xi32>], vector<16xf32>, vector<16xi1>
    %broadcast_in_dim3A_98 = arith.constant 0x7F800000 : f32
    %broadcast_in_dim3A_99 = vector.broadcast %broadcast_in_dim3A_98 : f32 to vector<16xf32>
    %scan3A = arith.constant 0 : i32
    %scan3A_100 = arith.constant 0 : i32
    %scan3A_101 = arith.constant 256 : i32
    %scan3A_102 = arith.addi %scan3A_100, %scan3A_101 : i32
    %scan3A_103 = arith.constant 1 : i32
    scf.for %scan3A_120 = %scan3A_100 to %scan3A_102 step %scan3A_103  : i32 {
      %mul3A_121 = arith.constant 16 : i32
      %mul3A_122 = arith.muli %scan3A_120, %mul3A_121 : i32
      %swap3A = arith.index_cast %mul3A_122 : i32 to index
      %swap3A_123 = tpu.vector_load %arg5[%swap3A] {strides = array<i32>} : memref<4096xf32, #tpu.memory_space<vmem>>, vector<16xf32>,
      tpu.vector_store %arg5[%swap3A], %broadcast_in_dim3A_99 {strides = array<i32>} : memref<4096xf32, #tpu.memory_space<vmem>>, vector<16xf32>,
    }
    %scan3A_104 = arith.constant 256 : i32
    %convert_element_type3A_105 = arith.sitofp %mul3A_32 : i32 to f32
    %broadcast_in_dim3A_106 = arith.constant 0xFF800000 : f32
    %broadcast_in_dim3A_107 = vector.broadcast %broadcast_in_dim3A_106 : f32 to vector<16xf32>
    %broadcast_in_dim3A_108 = arith.constant 0.000000e+00 : f32
    %broadcast_in_dim3A_109 = vector.broadcast %broadcast_in_dim3A_108 : f32 to vector<16xf32>
    %scan3A_110 = arith.constant 0 : i32
    %scan3A_111 = arith.constant 1023 : i32
    %scan3A_112 = arith.addi %scan3A_110, %scan3A_111 : i32
    %scan3A_113 = arith.constant 1 : i32
    %scan3A_114:3 = scf.for %scan3A_120 = %scan3A_110 to %scan3A_112 step %scan3A_113 iter_args(%scan3A_121 = %gather3A, %scan3A_122 = %gather3A_87, %scan3A_123 = %gather3A_91) -> (vector<16xf32>, vector<16xf32>, vector<16xf32>)  : i32 {
      %parallel_loop3A = arith.constant 0 : i32
      %parallel_loop3A_124 = arith.constant 32 : i32
      %parallel_loop3A_125 = arith.constant 1 : i32
      %parallel_loop3A_126:8 = scf.for %parallel_loop3A_298 = %parallel_loop3A to %parallel_loop3A_124 step %parallel_loop3A_125 iter_args(%parallel_loop3A_299 = %broadcast_in_dim3A_107, %parallel_loop3A_300 = %broadcast_in_dim3A_109, %parallel_loop3A_301 = %broadcast_in_dim3A_107, %parallel_loop3A_302 = %broadcast_in_dim3A_109, %parallel_loop3A_303 = %broadcast_in_dim3A_107, %parallel_loop3A_304 = %broadcast_in_dim3A_109, %parallel_loop3A_305 = %broadcast_in_dim3A_107, %parallel_loop3A_306 = %broadcast_in_dim3A_109) -> (vector<16xf32>, vector<16xf32>, vector<16xf32>, vector<16xf32>, vector<16xf32>, vector<16xf32>, vector<16xf32>, vector<16xf32>)  : i32 {
        %parallel_loop3A_307 = arith.constant 4 : i32
        %parallel_loop3A_308 = arith.muli %parallel_loop3A_298, %parallel_loop3A_307 : i32
        %parallel_loop3A_309 = arith.constant 0 : i32
        %parallel_loop3A_310 = arith.addi %parallel_loop3A_308, %parallel_loop3A_309 : i32
        %parallel_loop3A_311 = arith.constant 16 : i32
        %parallel_loop3A_312 = arith.muli %parallel_loop3A_310, %parallel_loop3A_311 : i32
        %parallel_loop3A_313 = arith.index_cast %parallel_loop3A_312 : i32 to index
        %parallel_loop3A_314 = tpu.vector_load %arg4[%parallel_loop3A_313] {strides = array<i32>} : memref<12288xf32, #tpu.memory_space<vmem>>, vector<16xf32>,
        %parallel_loop3A_315 = arith.subf %parallel_loop3A_314, %scan3A_121 : vector<16xf32>
        %parallel_loop3A_316 = arith.constant 4096 : i32
        %parallel_loop3A_317 = arith.addi %parallel_loop3A_316, %parallel_loop3A_312 : i32
        %parallel_loop3A_318 = arith.index_cast %parallel_loop3A_317 : i32 to index
        %parallel_loop3A_319 = tpu.vector_load %arg4[%parallel_loop3A_318] {strides = array<i32>} : memref<12288xf32, #tpu.memory_space<vmem>>, vector<16xf32>,
        %parallel_loop3A_320 = arith.subf %parallel_loop3A_319, %scan3A_122 : vector<16xf32>
        %parallel_loop3A_321 = arith.constant 8192 : i32
        %parallel_loop3A_322 = arith.addi %parallel_loop3A_321, %parallel_loop3A_312 : i32
        %parallel_loop3A_323 = arith.index_cast %parallel_loop3A_322 : i32 to index
        %parallel_loop3A_324 = tpu.vector_load %arg4[%parallel_loop3A_323] {strides = array<i32>} : memref<12288xf32, #tpu.memory_space<vmem>>, vector<16xf32>,
        %parallel_loop3A_325 = arith.subf %parallel_loop3A_324, %scan3A_123 : vector<16xf32>
        %parallel_loop3A_326 = arith.mulf %parallel_loop3A_315, %parallel_loop3A_315 : vector<16xf32>
        %parallel_loop3A_327 = arith.mulf %parallel_loop3A_320, %parallel_loop3A_320 : vector<16xf32>
        %parallel_loop3A_328 = arith.addf %parallel_loop3A_326, %parallel_loop3A_327 : vector<16xf32>
        %parallel_loop3A_329 = arith.mulf %parallel_loop3A_325, %parallel_loop3A_325 : vector<16xf32>
        %parallel_loop3A_330 = arith.addf %parallel_loop3A_328, %parallel_loop3A_329 : vector<16xf32>
        %parallel_loop3A_331 = arith.index_cast %parallel_loop3A_312 : i32 to index
        %parallel_loop3A_332 = tpu.vector_load %arg5[%parallel_loop3A_331] {strides = array<i32>} : memref<4096xf32, #tpu.memory_space<vmem>>, vector<16xf32>,
        %parallel_loop3A_333 = arith.minimumf %parallel_loop3A_332, %parallel_loop3A_330 : vector<16xf32>
        %parallel_loop3A_334 = arith.index_cast %parallel_loop3A_312 : i32 to index
        %parallel_loop3A_335 = tpu.vector_load %arg5[%parallel_loop3A_334] {strides = array<i32>} : memref<4096xf32, #tpu.memory_space<vmem>>, vector<16xf32>,
        tpu.vector_store %arg5[%parallel_loop3A_334], %parallel_loop3A_333 {strides = array<i32>} : memref<4096xf32, #tpu.memory_space<vmem>>, vector<16xf32>,
        %parallel_loop3A_336 = arith.addi %mul3A_32, %parallel_loop3A_312 : i32
        %parallel_loop3A_337 = arith.sitofp %parallel_loop3A_336 : i32 to f32
        %parallel_loop3A_338 = vector.broadcast %parallel_loop3A_337 : f32 to vector<16xf32>
        %parallel_loop3A_339 = arith.addf %convert_element_type3A, %parallel_loop3A_338 : vector<16xf32>
        %parallel_loop3A_340 = arith.cmpf ogt, %parallel_loop3A_333, %parallel_loop3A_299 : vector<16xf32>
        %parallel_loop3A_341 = arith.select %parallel_loop3A_340, %parallel_loop3A_333, %parallel_loop3A_299 : vector<16xi1>, vector<16xf32>
        %parallel_loop3A_342 = arith.select %parallel_loop3A_340, %parallel_loop3A_339, %parallel_loop3A_300 : vector<16xi1>, vector<16xf32>
        %parallel_loop3A_343 = arith.constant 4 : i32
        %parallel_loop3A_344 = arith.muli %parallel_loop3A_298, %parallel_loop3A_343 : i32
        %parallel_loop3A_345 = arith.constant 1 : i32
        %parallel_loop3A_346 = arith.addi %parallel_loop3A_344, %parallel_loop3A_345 : i32
        %parallel_loop3A_347 = arith.constant 16 : i32
        %parallel_loop3A_348 = arith.muli %parallel_loop3A_346, %parallel_loop3A_347 : i32
        %parallel_loop3A_349 = arith.index_cast %parallel_loop3A_348 : i32 to index
        %parallel_loop3A_350 = tpu.vector_load %arg4[%parallel_loop3A_349] {strides = array<i32>} : memref<12288xf32, #tpu.memory_space<vmem>>, vector<16xf32>,
        %parallel_loop3A_351 = arith.subf %parallel_loop3A_350, %scan3A_121 : vector<16xf32>
        %parallel_loop3A_352 = arith.constant 4096 : i32
        %parallel_loop3A_353 = arith.addi %parallel_loop3A_352, %parallel_loop3A_348 : i32
        %parallel_loop3A_354 = arith.index_cast %parallel_loop3A_353 : i32 to index
        %parallel_loop3A_355 = tpu.vector_load %arg4[%parallel_loop3A_354] {strides = array<i32>} : memref<12288xf32, #tpu.memory_space<vmem>>, vector<16xf32>,
        %parallel_loop3A_356 = arith.subf %parallel_loop3A_355, %scan3A_122 : vector<16xf32>
        %parallel_loop3A_357 = arith.constant 8192 : i32
        %parallel_loop3A_358 = arith.addi %parallel_loop3A_357, %parallel_loop3A_348 : i32
        %parallel_loop3A_359 = arith.index_cast %parallel_loop3A_358 : i32 to index
        %parallel_loop3A_360 = tpu.vector_load %arg4[%parallel_loop3A_359] {strides = array<i32>} : memref<12288xf32, #tpu.memory_space<vmem>>, vector<16xf32>,
        %parallel_loop3A_361 = arith.subf %parallel_loop3A_360, %scan3A_123 : vector<16xf32>
        %parallel_loop3A_362 = arith.mulf %parallel_loop3A_351, %parallel_loop3A_351 : vector<16xf32>
        %parallel_loop3A_363 = arith.mulf %parallel_loop3A_356, %parallel_loop3A_356 : vector<16xf32>
        %parallel_loop3A_364 = arith.addf %parallel_loop3A_362, %parallel_loop3A_363 : vector<16xf32>
        %parallel_loop3A_365 = arith.mulf %parallel_loop3A_361, %parallel_loop3A_361 : vector<16xf32>
        %parallel_loop3A_366 = arith.addf %parallel_loop3A_364, %parallel_loop3A_365 : vector<16xf32>
        %parallel_loop3A_367 = arith.index_cast %parallel_loop3A_348 : i32 to index
        %parallel_loop3A_368 = tpu.vector_load %arg5[%parallel_loop3A_367] {strides = array<i32>} : memref<4096xf32, #tpu.memory_space<vmem>>, vector<16xf32>,
        %parallel_loop3A_369 = arith.minimumf %parallel_loop3A_368, %parallel_loop3A_366 : vector<16xf32>
        %parallel_loop3A_370 = arith.index_cast %parallel_loop3A_348 : i32 to index
        %parallel_loop3A_371 = tpu.vector_load %arg5[%parallel_loop3A_370] {strides = array<i32>} : memref<4096xf32, #tpu.memory_space<vmem>>, vector<16xf32>,
        tpu.vector_store %arg5[%parallel_loop3A_370], %parallel_loop3A_369 {strides = array<i32>} : memref<4096xf32, #tpu.memory_space<vmem>>, vector<16xf32>,
        %parallel_loop3A_372 = arith.addi %mul3A_32, %parallel_loop3A_348 : i32
        %parallel_loop3A_373 = arith.sitofp %parallel_loop3A_372 : i32 to f32
        %parallel_loop3A_374 = vector.broadcast %parallel_loop3A_373 : f32 to vector<16xf32>
        %parallel_loop3A_375 = arith.addf %convert_element_type3A, %parallel_loop3A_374 : vector<16xf32>
        %parallel_loop3A_376 = arith.cmpf ogt, %parallel_loop3A_369, %parallel_loop3A_301 : vector<16xf32>
        %parallel_loop3A_377 = arith.select %parallel_loop3A_376, %parallel_loop3A_369, %parallel_loop3A_301 : vector<16xi1>, vector<16xf32>
        %parallel_loop3A_378 = arith.select %parallel_loop3A_376, %parallel_loop3A_375, %parallel_loop3A_302 : vector<16xi1>, vector<16xf32>
        %parallel_loop3A_379 = arith.constant 4 : i32
        %parallel_loop3A_380 = arith.muli %parallel_loop3A_298, %parallel_loop3A_379 : i32
        %parallel_loop3A_381 = arith.constant 2 : i32
        %parallel_loop3A_382 = arith.addi %parallel_loop3A_380, %parallel_loop3A_381 : i32
        %parallel_loop3A_383 = arith.constant 16 : i32
        %parallel_loop3A_384 = arith.muli %parallel_loop3A_382, %parallel_loop3A_383 : i32
        %parallel_loop3A_385 = arith.index_cast %parallel_loop3A_384 : i32 to index
        %parallel_loop3A_386 = tpu.vector_load %arg4[%parallel_loop3A_385] {strides = array<i32>} : memref<12288xf32, #tpu.memory_space<vmem>>, vector<16xf32>,
        %parallel_loop3A_387 = arith.subf %parallel_loop3A_386, %scan3A_121 : vector<16xf32>
        %parallel_loop3A_388 = arith.constant 4096 : i32
        %parallel_loop3A_389 = arith.addi %parallel_loop3A_388, %parallel_loop3A_384 : i32
        %parallel_loop3A_390 = arith.index_cast %parallel_loop3A_389 : i32 to index
        %parallel_loop3A_391 = tpu.vector_load %arg4[%parallel_loop3A_390] {strides = array<i32>} : memref<12288xf32, #tpu.memory_space<vmem>>, vector<16xf32>,
        %parallel_loop3A_392 = arith.subf %parallel_loop3A_391, %scan3A_122 : vector<16xf32>
        %parallel_loop3A_393 = arith.constant 8192 : i32
        %parallel_loop3A_394 = arith.addi %parallel_loop3A_393, %parallel_loop3A_384 : i32
        %parallel_loop3A_395 = arith.index_cast %parallel_loop3A_394 : i32 to index
        %parallel_loop3A_396 = tpu.vector_load %arg4[%parallel_loop3A_395] {strides = array<i32>} : memref<12288xf32, #tpu.memory_space<vmem>>, vector<16xf32>,
        %parallel_loop3A_397 = arith.subf %parallel_loop3A_396, %scan3A_123 : vector<16xf32>
        %parallel_loop3A_398 = arith.mulf %parallel_loop3A_387, %parallel_loop3A_387 : vector<16xf32>
        %parallel_loop3A_399 = arith.mulf %parallel_loop3A_392, %parallel_loop3A_392 : vector<16xf32>
        %parallel_loop3A_400 = arith.addf %parallel_loop3A_398, %parallel_loop3A_399 : vector<16xf32>
        %parallel_loop3A_401 = arith.mulf %parallel_loop3A_397, %parallel_loop3A_397 : vector<16xf32>
        %parallel_loop3A_402 = arith.addf %parallel_loop3A_400, %parallel_loop3A_401 : vector<16xf32>
        %parallel_loop3A_403 = arith.index_cast %parallel_loop3A_384 : i32 to index
        %parallel_loop3A_404 = tpu.vector_load %arg5[%parallel_loop3A_403] {strides = array<i32>} : memref<4096xf32, #tpu.memory_space<vmem>>, vector<16xf32>,
        %parallel_loop3A_405 = arith.minimumf %parallel_loop3A_404, %parallel_loop3A_402 : vector<16xf32>
        %parallel_loop3A_406 = arith.index_cast %parallel_loop3A_384 : i32 to index
        %parallel_loop3A_407 = tpu.vector_load %arg5[%parallel_loop3A_406] {strides = array<i32>} : memref<4096xf32, #tpu.memory_space<vmem>>, vector<16xf32>,
        tpu.vector_store %arg5[%parallel_loop3A_406], %parallel_loop3A_405 {strides = array<i32>} : memref<4096xf32, #tpu.memory_space<vmem>>, vector<16xf32>,
        %parallel_loop3A_408 = arith.addi %mul3A_32, %parallel_loop3A_384 : i32
        %parallel_loop3A_409 = arith.sitofp %parallel_loop3A_408 : i32 to f32
        %parallel_loop3A_410 = vector.broadcast %parallel_loop3A_409 : f32 to vector<16xf32>
        %parallel_loop3A_411 = arith.addf %convert_element_type3A, %parallel_loop3A_410 : vector<16xf32>
        %parallel_loop3A_412 = arith.cmpf ogt, %parallel_loop3A_405, %parallel_loop3A_303 : vector<16xf32>
        %parallel_loop3A_413 = arith.select %parallel_loop3A_412, %parallel_loop3A_405, %parallel_loop3A_303 : vector<16xi1>, vector<16xf32>
        %parallel_loop3A_414 = arith.select %parallel_loop3A_412, %parallel_loop3A_411, %parallel_loop3A_304 : vector<16xi1>, vector<16xf32>
        %parallel_loop3A_415 = arith.constant 4 : i32
        %parallel_loop3A_416 = arith.muli %parallel_loop3A_298, %parallel_loop3A_415 : i32
        %parallel_loop3A_417 = arith.constant 3 : i32
        %parallel_loop3A_418 = arith.addi %parallel_loop3A_416, %parallel_loop3A_417 : i32
        %parallel_loop3A_419 = arith.constant 16 : i32
        %parallel_loop3A_420 = arith.muli %parallel_loop3A_418, %parallel_loop3A_419 : i32
        %parallel_loop3A_421 = arith.index_cast %parallel_loop3A_420 : i32 to index
        %parallel_loop3A_422 = tpu.vector_load %arg4[%parallel_loop3A_421] {strides = array<i32>} : memref<12288xf32, #tpu.memory_space<vmem>>, vector<16xf32>,
        %parallel_loop3A_423 = arith.subf %parallel_loop3A_422, %scan3A_121 : vector<16xf32>
        %parallel_loop3A_424 = arith.constant 4096 : i32
        %parallel_loop3A_425 = arith.addi %parallel_loop3A_424, %parallel_loop3A_420 : i32
        %parallel_loop3A_426 = arith.index_cast %parallel_loop3A_425 : i32 to index
        %parallel_loop3A_427 = tpu.vector_load %arg4[%parallel_loop3A_426] {strides = array<i32>} : memref<12288xf32, #tpu.memory_space<vmem>>, vector<16xf32>,
        %parallel_loop3A_428 = arith.subf %parallel_loop3A_427, %scan3A_122 : vector<16xf32>
        %parallel_loop3A_429 = arith.constant 8192 : i32
        %parallel_loop3A_430 = arith.addi %parallel_loop3A_429, %parallel_loop3A_420 : i32
        %parallel_loop3A_431 = arith.index_cast %parallel_loop3A_430 : i32 to index
        %parallel_loop3A_432 = tpu.vector_load %arg4[%parallel_loop3A_431] {strides = array<i32>} : memref<12288xf32, #tpu.memory_space<vmem>>, vector<16xf32>,
        %parallel_loop3A_433 = arith.subf %parallel_loop3A_432, %scan3A_123 : vector<16xf32>
        %parallel_loop3A_434 = arith.mulf %parallel_loop3A_423, %parallel_loop3A_423 : vector<16xf32>
        %parallel_loop3A_435 = arith.mulf %parallel_loop3A_428, %parallel_loop3A_428 : vector<16xf32>
        %parallel_loop3A_436 = arith.addf %parallel_loop3A_434, %parallel_loop3A_435 : vector<16xf32>
        %parallel_loop3A_437 = arith.mulf %parallel_loop3A_433, %parallel_loop3A_433 : vector<16xf32>
        %parallel_loop3A_438 = arith.addf %parallel_loop3A_436, %parallel_loop3A_437 : vector<16xf32>
        %parallel_loop3A_439 = arith.index_cast %parallel_loop3A_420 : i32 to index
        %parallel_loop3A_440 = tpu.vector_load %arg5[%parallel_loop3A_439] {strides = array<i32>} : memref<4096xf32, #tpu.memory_space<vmem>>, vector<16xf32>,
        %parallel_loop3A_441 = arith.minimumf %parallel_loop3A_440, %parallel_loop3A_438 : vector<16xf32>
        %parallel_loop3A_442 = arith.index_cast %parallel_loop3A_420 : i32 to index
        %parallel_loop3A_443 = tpu.vector_load %arg5[%parallel_loop3A_442] {strides = array<i32>} : memref<4096xf32, #tpu.memory_space<vmem>>, vector<16xf32>,
        tpu.vector_store %arg5[%parallel_loop3A_442], %parallel_loop3A_441 {strides = array<i32>} : memref<4096xf32, #tpu.memory_space<vmem>>, vector<16xf32>,
        %parallel_loop3A_444 = arith.addi %mul3A_32, %parallel_loop3A_420 : i32
        %parallel_loop3A_445 = arith.sitofp %parallel_loop3A_444 : i32 to f32
        %parallel_loop3A_446 = vector.broadcast %parallel_loop3A_445 : f32 to vector<16xf32>
        %parallel_loop3A_447 = arith.addf %convert_element_type3A, %parallel_loop3A_446 : vector<16xf32>
        %parallel_loop3A_448 = arith.cmpf ogt, %parallel_loop3A_441, %parallel_loop3A_305 : vector<16xf32>
        %parallel_loop3A_449 = arith.select %parallel_loop3A_448, %parallel_loop3A_441, %parallel_loop3A_305 : vector<16xi1>, vector<16xf32>
        %parallel_loop3A_450 = arith.select %parallel_loop3A_448, %parallel_loop3A_447, %parallel_loop3A_306 : vector<16xi1>, vector<16xf32>
        scf.yield %parallel_loop3A_341, %parallel_loop3A_342, %parallel_loop3A_377, %parallel_loop3A_378, %parallel_loop3A_413, %parallel_loop3A_414, %parallel_loop3A_449, %parallel_loop3A_450 : vector<16xf32>, vector<16xf32>, vector<16xf32>, vector<16xf32>, vector<16xf32>, vector<16xf32>, vector<16xf32>, vector<16xf32>
      } {sc.loop_unroll_factor = 2 : i64, sc.parallel_access}
      %gt3A = arith.cmpf ogt, %parallel_loop3A_126#2, %parallel_loop3A_126#0 : vector<16xf32>
      %eq3A_127 = arith.cmpf oeq, %parallel_loop3A_126#2, %parallel_loop3A_126#0 : vector<16xf32>
      %lt3A_128 = arith.cmpf olt, %parallel_loop3A_126#3, %parallel_loop3A_126#1 : vector<16xf32>
      %and3A_129 = arith.andi %eq3A_127, %lt3A_128 : vector<16xi1>
      %or3A = arith.ori %gt3A, %and3A_129 : vector<16xi1>
      %select_n3A_130 = arith.select %or3A, %parallel_loop3A_126#2, %parallel_loop3A_126#0 : vector<16xi1>, vector<16xf32>
      %select_n3A_131 = arith.select %or3A, %parallel_loop3A_126#3, %parallel_loop3A_126#1 : vector<16xi1>, vector<16xf32>
      %gt3A_132 = arith.cmpf ogt, %parallel_loop3A_126#4, %select_n3A_130 : vector<16xf32>
      %eq3A_133 = arith.cmpf oeq, %parallel_loop3A_126#4, %select_n3A_130 : vector<16xf32>
      %lt3A_134 = arith.cmpf olt, %parallel_loop3A_126#5, %select_n3A_131 : vector<16xf32>
      %and3A_135 = arith.andi %eq3A_133, %lt3A_134 : vector<16xi1>
      %or3A_136 = arith.ori %gt3A_132, %and3A_135 : vector<16xi1>
      %select_n3A_137 = arith.select %or3A_136, %parallel_loop3A_126#4, %select_n3A_130 : vector<16xi1>, vector<16xf32>
      %select_n3A_138 = arith.select %or3A_136, %parallel_loop3A_126#5, %select_n3A_131 : vector<16xi1>, vector<16xf32>
      %gt3A_139 = arith.cmpf ogt, %parallel_loop3A_126#6, %select_n3A_137 : vector<16xf32>
      %eq3A_140 = arith.cmpf oeq, %parallel_loop3A_126#6, %select_n3A_137 : vector<16xf32>
      %lt3A_141 = arith.cmpf olt, %parallel_loop3A_126#7, %select_n3A_138 : vector<16xf32>
      %and3A_142 = arith.andi %eq3A_140, %lt3A_141 : vector<16xi1>
      %or3A_143 = arith.ori %gt3A_139, %and3A_142 : vector<16xi1>
      %select_n3A_144 = arith.select %or3A_143, %parallel_loop3A_126#6, %select_n3A_137 : vector<16xi1>, vector<16xf32>
      %select_n3A_145 = arith.select %or3A_143, %parallel_loop3A_126#7, %select_n3A_138 : vector<16xi1>, vector<16xf32>
      %reduce_max3A = arith.constant true
      %reduce_max3A_146 = vector.broadcast %reduce_max3A : i1 to vector<16xi1>
      %reduce_max3A_147 = tpu.scan <max>, %select_n3A_144 masked %reduce_max3A_146 : vector<16xf32>, vector<16xi1> -> vector<16xf32>
      %reduce_max3A_148 = vector.extract %reduce_max3A_147[15] : f32 from vector<16xf32>
      %eq3A_149 = vector.broadcast %reduce_max3A_148 : f32 to vector<16xf32>
      %eq3A_150 = arith.cmpf oeq, %select_n3A_144, %eq3A_149 : vector<16xf32>
      %jit3A_151 = arith.constant 1.000000e+09 : f32
      %broadcast_in_dim3A_152 = vector.broadcast %jit3A_151 : f32 to vector<16xf32>
      %select_n3A_153 = arith.select %eq3A_150, %select_n3A_145, %broadcast_in_dim3A_152 : vector<16xi1>, vector<16xf32>
      %reduce_min3A = arith.constant true
      %reduce_min3A_154 = vector.broadcast %reduce_min3A : i1 to vector<16xi1>
      %reduce_min3A_155 = tpu.scan <min>, %select_n3A_153 masked %reduce_min3A_154 : vector<16xf32>, vector<16xi1> -> vector<16xf32>
      %reduce_min3A_156 = vector.extract %reduce_min3A_155[15] : f32 from vector<16xf32>
      %sub3A_157 = arith.subf %reduce_min3A_156, %convert_element_type3A_105 : f32
      %convert_element_type3A_158 = arith.fptosi %sub3A_157 : f32 to i32
      %broadcast_in_dim3A_159 = vector.broadcast %convert_element_type3A_158 : i32 to vector<16xi32>
      %gather3A_160 = tpu.vector_load_idx %arg4[%broadcast_in_dim3A_159] : memref<12288xf32, #tpu.memory_space<vmem>>[vector<16xi32>], vector<16xf32>,
      %add3A_161 = arith.constant 4096 : i32
      %add3A_162 = vector.broadcast %add3A_161 : i32 to vector<16xi32>
      %add3A_163 = arith.addi %broadcast_in_dim3A_159, %add3A_162 : vector<16xi32>
      %gather3A_164 = tpu.vector_load_idx %arg4[%add3A_163] : memref<12288xf32, #tpu.memory_space<vmem>>[vector<16xi32>], vector<16xf32>,
      %add3A_165 = arith.constant 8192 : i32
      %add3A_166 = vector.broadcast %add3A_165 : i32 to vector<16xi32>
      %add3A_167 = arith.addi %broadcast_in_dim3A_159, %add3A_166 : vector<16xi32>
      %gather3A_168 = tpu.vector_load_idx %arg4[%add3A_167] : memref<12288xf32, #tpu.memory_space<vmem>>[vector<16xi32>], vector<16xf32>,
      %eq3A_169 = arith.constant 0 : i32
      %eq3A_170 = vector.broadcast %eq3A_169 : i32 to vector<16xi32>
      %eq3A_171 = arith.cmpi eq, %iota3A, %eq3A_170 : vector<16xi32>
      %eq3A_172 = arith.constant 1 : i32
      %eq3A_173 = vector.broadcast %eq3A_172 : i32 to vector<16xi32>
      %eq3A_174 = arith.cmpi eq, %iota3A, %eq3A_173 : vector<16xi32>
      %eq3A_175 = arith.constant 2 : i32
      %eq3A_176 = vector.broadcast %eq3A_175 : i32 to vector<16xi32>
      %eq3A_177 = arith.cmpi eq, %iota3A, %eq3A_176 : vector<16xi32>
      %eq3A_178 = arith.constant 3 : i32
      %eq3A_179 = vector.broadcast %eq3A_178 : i32 to vector<16xi32>
      %eq3A_180 = arith.cmpi eq, %iota3A, %eq3A_179 : vector<16xi32>
      %eq3A_181 = arith.constant 4 : i32
      %eq3A_182 = vector.broadcast %eq3A_181 : i32 to vector<16xi32>
      %eq3A_183 = arith.cmpi eq, %iota3A, %eq3A_182 : vector<16xi32>
      %jit3A_184 = arith.constant 0.000000e+00 : f32
      %broadcast_in_dim3A_185 = vector.broadcast %jit3A_184 : f32 to vector<16xf32>
      %select_n3A_186 = arith.select %eq3A_183, %gather3A_168, %broadcast_in_dim3A_185 : vector<16xi1>, vector<16xf32>
      %select_n3A_187 = arith.select %eq3A_180, %gather3A_164, %select_n3A_186 : vector<16xi1>, vector<16xf32>
      %select_n3A_188 = arith.select %eq3A_177, %gather3A_160, %select_n3A_187 : vector<16xi1>, vector<16xf32>
      %broadcast_in_dim3A_189 = vector.broadcast %reduce_min3A_156 : f32 to vector<16xf32>
      %select_n3A_190 = arith.select %eq3A_174, %broadcast_in_dim3A_189, %select_n3A_188 : vector<16xi1>, vector<16xf32>
      %broadcast_in_dim3A_191 = vector.broadcast %reduce_max3A_148 : f32 to vector<16xf32>
      %select_n3A_192 = arith.select %eq3A_171, %broadcast_in_dim3A_191, %select_n3A_190 : vector<16xi1>, vector<16xf32>
      %swap3A = arith.constant 0 : index
      %swap3A_193 = tpu.vector_load %arg7[%swap3A] {strides = array<i32>} : memref<16xf32, #tpu.memory_space<vmem>>, vector<16xf32>,
      tpu.vector_store %arg7[%swap3A], %select_n3A_192 {strides = array<i32>} : memref<16xf32, #tpu.memory_space<vmem>>, vector<16xf32>,
      %jit3A_194 = arith.constant 2 : i32
      %eq3A_195 = arith.constant 0 : i32
      %eq3A_196 = arith.cmpi eq, %jit3A_194, %eq3A_195 : i32
      %jit3A_197 = arith.constant 1 : i32
      %select_n3A_198 = arith.select %eq3A_196, %jit3A_197, %jit3A_194 : i32
      %rem3A_199 = arith.remsi %scan3A_120, %select_n3A_198 : i32
      %ne3A_200 = arith.constant 0 : i32
      %ne3A_201 = arith.cmpi ne, %rem3A_199, %ne3A_200 : i32
      %lt3A_202 = arith.constant 0 : i32
      %lt3A_203 = arith.cmpi slt, %rem3A_199, %lt3A_202 : i32
      %lt3A_204 = arith.constant 0 : i32
      %lt3A_205 = arith.cmpi slt, %select_n3A_198, %lt3A_204 : i32
      %ne3A_206 = arith.xori %lt3A_203, %lt3A_205 : i1
      %and3A_207 = arith.andi %ne3A_206, %ne3A_201 : i1
      %add3A_208 = arith.addi %rem3A_199, %select_n3A_198 : i32
      %select_n3A_209 = arith.select %and3A_207, %add3A_208, %rem3A_199 : i32
      %mul3A_210 = arith.constant 4 : i32
      %mul3A_211 = arith.muli %select_n3A_209, %mul3A_210 : i32
      %add3A_212 = arith.addi %mul3A_211, %select_n3A : i32
      %mul3A_213 = arith.constant 4 : i32
      %mul3A_214 = arith.muli %add3A_212, %mul3A_213 : i32
      %add3A_215 = arith.addi %mul3A_214, %select_n3A_28 : i32
      %mul3A_216 = arith.constant 16 : i32
      %mul3A_217 = arith.muli %add3A_215, %mul3A_216 : i32
      "tpu.region"() ({
        %run_scoped3A = tpu.sem_alloc : memref<!tpu.dma_semaphore, #tpu.memory_space<semaphore_mem>>
        %dma_start3A = tpu.memref_slice %arg10[%mul3A_217] : memref<512xf32, #tpu.memory_space<vmem_shared>> -> memref<16xf32, #tpu.memory_space<vmem_shared>>
        %dma_start3A_298 = tpu.memref_slice %arg10[%mul3A_217] : memref<512xf32, #tpu.memory_space<vmem_shared>> -> memref<16xf32, #tpu.memory_space<vmem_shared>>
        tpu.enqueue_dma source(%arg7 : memref<16xf32, #tpu.memory_space<vmem>>) target(%dma_start3A_298 : memref<16xf32, #tpu.memory_space<vmem_shared>>) target_semaphore(%run_scoped3A : memref<!tpu.dma_semaphore, #tpu.memory_space<semaphore_mem>>)
        %dma_wait3A = tpu.memref_slice %arg10[%mul3A_217] : memref<512xf32, #tpu.memory_space<vmem_shared>> -> memref<16xf32, #tpu.memory_space<vmem_shared>>
        %dma_wait3A_299 = tpu.memref_slice %arg10[%mul3A_217] : memref<512xf32, #tpu.memory_space<vmem_shared>> -> memref<16xf32, #tpu.memory_space<vmem_shared>>
        tpu.wait_dma2 semaphore(%run_scoped3A : memref<!tpu.dma_semaphore, #tpu.memory_space<semaphore_mem>>) src(%arg7 : memref<16xf32, #tpu.memory_space<vmem>>) dst(%dma_wait3A_299 : memref<16xf32, #tpu.memory_space<vmem_shared>>)
        tpu.yield
      }) : () -> ()
      %barrier3A = arith.constant 0 : index
      tpu.barrier barrier_id(%barrier3A)
      %mul3A_218 = arith.constant 4 : i32
      %mul3A_219 = arith.muli %select_n3A_209, %mul3A_218 : i32
      %add3A_220 = arith.addi %mul3A_219, %select_n3A : i32
      %mul3A_221 = arith.constant 4 : i32
      %mul3A_222 = arith.muli %add3A_220, %mul3A_221 : i32
      %mul3A_223 = arith.constant 16 : i32
      %mul3A_224 = arith.muli %mul3A_222, %mul3A_223 : i32
      "tpu.region"() ({
        %run_scoped3A = tpu.sem_alloc : memref<!tpu.dma_semaphore, #tpu.memory_space<semaphore_mem>>
        %dma_start3A = tpu.memref_slice %arg10[%mul3A_224] : memref<512xf32, #tpu.memory_space<vmem_shared>> -> memref<64xf32, #tpu.memory_space<vmem_shared>>
        %dma_start3A_298 = tpu.memref_slice %arg10[%mul3A_224] : memref<512xf32, #tpu.memory_space<vmem_shared>> -> memref<64xf32, #tpu.memory_space<vmem_shared>>
        tpu.enqueue_dma source(%dma_start3A_298 : memref<64xf32, #tpu.memory_space<vmem_shared>>) target(%arg8 : memref<64xf32, #tpu.memory_space<vmem>>) target_semaphore(%run_scoped3A : memref<!tpu.dma_semaphore, #tpu.memory_space<semaphore_mem>>)
        %dma_wait3A = tpu.memref_slice %arg10[%mul3A_224] : memref<512xf32, #tpu.memory_space<vmem_shared>> -> memref<64xf32, #tpu.memory_space<vmem_shared>>
        %dma_wait3A_299 = tpu.memref_slice %arg10[%mul3A_224] : memref<512xf32, #tpu.memory_space<vmem_shared>> -> memref<64xf32, #tpu.memory_space<vmem_shared>>
        tpu.wait_dma2 semaphore(%run_scoped3A : memref<!tpu.dma_semaphore, #tpu.memory_space<semaphore_mem>>) src(%dma_wait3A_299 : memref<64xf32, #tpu.memory_space<vmem_shared>>) dst(%arg8 : memref<64xf32, #tpu.memory_space<vmem>>)
        tpu.yield
      }) : () -> ()
      %mul3A_225 = arith.constant 16 : i32
      %mul3A_226 = vector.broadcast %mul3A_225 : i32 to vector<16xi32>
      %mul3A_227 = arith.muli %min3A_38, %mul3A_226 : vector<16xi32>
      %gather3A_228 = tpu.vector_load_idx %arg8[%mul3A_227] : memref<64xf32, #tpu.memory_space<vmem>>[vector<16xi32>], vector<16xf32>,
      %add3A_229 = arith.constant 1 : i32
      %add3A_230 = vector.broadcast %add3A_229 : i32 to vector<16xi32>
      %add3A_231 = arith.addi %mul3A_227, %add3A_230 : vector<16xi32>
      %gather3A_232 = tpu.vector_load_idx %arg8[%add3A_231] : memref<64xf32, #tpu.memory_space<vmem>>[vector<16xi32>], vector<16xf32>,
      %add3A_233 = arith.constant 2 : i32
      %add3A_234 = vector.broadcast %add3A_233 : i32 to vector<16xi32>
      %add3A_235 = arith.addi %mul3A_227, %add3A_234 : vector<16xi32>
      %gather3A_236 = tpu.vector_load_idx %arg8[%add3A_235] : memref<64xf32, #tpu.memory_space<vmem>>[vector<16xi32>], vector<16xf32>,
      %add3A_237 = arith.constant 3 : i32
      %add3A_238 = vector.broadcast %add3A_237 : i32 to vector<16xi32>
      %add3A_239 = arith.addi %mul3A_227, %add3A_238 : vector<16xi32>
      %gather3A_240 = tpu.vector_load_idx %arg8[%add3A_239] : memref<64xf32, #tpu.memory_space<vmem>>[vector<16xi32>], vector<16xf32>,
      %add3A_241 = arith.constant 4 : i32
      %add3A_242 = vector.broadcast %add3A_241 : i32 to vector<16xi32>
      %add3A_243 = arith.addi %mul3A_227, %add3A_242 : vector<16xi32>
      %gather3A_244 = tpu.vector_load_idx %arg8[%add3A_243] : memref<64xf32, #tpu.memory_space<vmem>>[vector<16xi32>], vector<16xf32>,
      %jit3A_245 = arith.constant 0xFF800000 : f32
      %broadcast_in_dim3A_246 = vector.broadcast %jit3A_245 : f32 to vector<16xf32>
      %select_n3A_247 = arith.select %lt3A_41, %gather3A_228, %broadcast_in_dim3A_246 : vector<16xi1>, vector<16xf32>
      %reduce_max3A_248 = arith.constant true
      %reduce_max3A_249 = vector.broadcast %reduce_max3A_248 : i1 to vector<16xi1>
      %reduce_max3A_250 = tpu.scan <max>, %select_n3A_247 masked %reduce_max3A_249 : vector<16xf32>, vector<16xi1> -> vector<16xf32>
      %reduce_max3A_251 = vector.extract %reduce_max3A_250[15] : f32 from vector<16xf32>
      %eq3A_252 = vector.broadcast %reduce_max3A_251 : f32 to vector<16xf32>
      %eq3A_253 = arith.cmpf oeq, %gather3A_228, %eq3A_252 : vector<16xf32>
      %and3A_254 = arith.andi %lt3A_41, %eq3A_253 : vector<16xi1>
      %jit3A_255 = arith.constant 1.000000e+09 : f32
      %broadcast_in_dim3A_256 = vector.broadcast %jit3A_255 : f32 to vector<16xf32>
      %select_n3A_257 = arith.select %and3A_254, %gather3A_232, %broadcast_in_dim3A_256 : vector<16xi1>, vector<16xf32>
      %reduce_min3A_258 = arith.constant true
      %reduce_min3A_259 = vector.broadcast %reduce_min3A_258 : i1 to vector<16xi1>
      %reduce_min3A_260 = tpu.scan <min>, %select_n3A_257 masked %reduce_min3A_259 : vector<16xf32>, vector<16xi1> -> vector<16xf32>
      %reduce_min3A_261 = vector.extract %reduce_min3A_260[15] : f32 from vector<16xf32>
      %eq3A_262 = vector.broadcast %reduce_min3A_261 : f32 to vector<16xf32>
      %eq3A_263 = arith.cmpf oeq, %gather3A_232, %eq3A_262 : vector<16xf32>
      %and3A_264 = arith.andi %lt3A_41, %eq3A_263 : vector<16xi1>
      %jit3A_265 = arith.constant 0xFF800000 : f32
      %broadcast_in_dim3A_266 = vector.broadcast %jit3A_265 : f32 to vector<16xf32>
      %select_n3A_267 = arith.select %and3A_264, %gather3A_236, %broadcast_in_dim3A_266 : vector<16xi1>, vector<16xf32>
      %reduce_max3A_268 = arith.constant true
      %reduce_max3A_269 = vector.broadcast %reduce_max3A_268 : i1 to vector<16xi1>
      %reduce_max3A_270 = tpu.scan <max>, %select_n3A_267 masked %reduce_max3A_269 : vector<16xf32>, vector<16xi1> -> vector<16xf32>
      %reduce_max3A_271 = vector.extract %reduce_max3A_270[15] : f32 from vector<16xf32>
      %jit3A_272 = arith.constant 0xFF800000 : f32
      %broadcast_in_dim3A_273 = vector.broadcast %jit3A_272 : f32 to vector<16xf32>
      %select_n3A_274 = arith.select %and3A_264, %gather3A_240, %broadcast_in_dim3A_273 : vector<16xi1>, vector<16xf32>
      %reduce_max3A_275 = arith.constant true
      %reduce_max3A_276 = vector.broadcast %reduce_max3A_275 : i1 to vector<16xi1>
      %reduce_max3A_277 = tpu.scan <max>, %select_n3A_274 masked %reduce_max3A_276 : vector<16xf32>, vector<16xi1> -> vector<16xf32>
      %reduce_max3A_278 = vector.extract %reduce_max3A_277[15] : f32 from vector<16xf32>
      %jit3A_279 = arith.constant 0xFF800000 : f32
      %broadcast_in_dim3A_280 = vector.broadcast %jit3A_279 : f32 to vector<16xf32>
      %select_n3A_281 = arith.select %and3A_264, %gather3A_244, %broadcast_in_dim3A_280 : vector<16xi1>, vector<16xf32>
      %reduce_max3A_282 = arith.constant true
      %reduce_max3A_283 = vector.broadcast %reduce_max3A_282 : i1 to vector<16xi1>
      %reduce_max3A_284 = tpu.scan <max>, %select_n3A_281 masked %reduce_max3A_283 : vector<16xf32>, vector<16xi1> -> vector<16xf32>
      %reduce_max3A_285 = vector.extract %reduce_max3A_284[15] : f32 from vector<16xf32>
      %broadcast_in_dim3A_286 = vector.broadcast %reduce_max3A_271 : f32 to vector<16xf32>
      %broadcast_in_dim3A_287 = vector.broadcast %reduce_max3A_278 : f32 to vector<16xf32>
      %broadcast_in_dim3A_288 = vector.broadcast %reduce_max3A_285 : f32 to vector<16xf32>
      %add3A_289 = arith.constant 1 : i32
      %add3A_290 = arith.addi %scan3A_120, %add3A_289 : i32
      %broadcast_in_dim3A_291 = vector.broadcast %add3A_290 : i32 to vector<16xi32>
      tpu.vector_store_idx %arg6[%broadcast_in_dim3A_291], %broadcast_in_dim3A_286 masked %eq3A_36 : memref<3072xf32, #tpu.memory_space<vmem>>[vector<16xi32>], vector<16xf32>, vector<16xi1>
      %add3A_292 = arith.constant 1024 : i32
      %add3A_293 = vector.broadcast %add3A_292 : i32 to vector<16xi32>
      %add3A_294 = arith.addi %broadcast_in_dim3A_291, %add3A_293 : vector<16xi32>
      tpu.vector_store_idx %arg6[%add3A_294], %broadcast_in_dim3A_287 masked %eq3A_36 : memref<3072xf32, #tpu.memory_space<vmem>>[vector<16xi32>], vector<16xf32>, vector<16xi1>
      %add3A_295 = arith.constant 2048 : i32
      %add3A_296 = vector.broadcast %add3A_295 : i32 to vector<16xi32>
      %add3A_297 = arith.addi %broadcast_in_dim3A_291, %add3A_296 : vector<16xi32>
      tpu.vector_store_idx %arg6[%add3A_297], %broadcast_in_dim3A_288 masked %eq3A_36 : memref<3072xf32, #tpu.memory_space<vmem>>[vector<16xi32>], vector<16xf32>, vector<16xi1>
      scf.yield %broadcast_in_dim3A_286, %broadcast_in_dim3A_287, %broadcast_in_dim3A_288 : vector<16xf32>, vector<16xf32>, vector<16xf32>
    }
    %scan3A_115 = arith.constant 1023 : i32
    %eq3A_116 = arith.constant 0 : i32
    %eq3A_117 = arith.cmpi eq, %select_n3A_28, %eq3A_116 : i32
    %convert_element_type3A_118 = arith.extui %eq3A_117 : i1 to i32
    %cond3A = arith.constant 0 : i32
    %cond3A_119 = arith.cmpi ne, %convert_element_type3A_118, %cond3A : i32
    scf.if %cond3A_119 {
      %mul3A_120 = arith.constant 3 : i32
      %mul3A_121 = arith.muli %add3A_30, %mul3A_120 : i32
      %add3A_122 = arith.constant 0 : i32
      %add3A_123 = arith.addi %mul3A_121, %add3A_122 : i32
      %mul3A_124 = arith.constant 1024 : i32
      %mul3A_125 = arith.muli %add3A_123, %mul3A_124 : i32
      "tpu.region"() ({
        %run_scoped3A = tpu.sem_alloc : memref<!tpu.dma_semaphore, #tpu.memory_space<semaphore_mem>>
        %dma_start3A = arith.constant 0 : i32
        %dma_start3A_138 = tpu.memref_slice %arg6[%dma_start3A] : memref<3072xf32, #tpu.memory_space<vmem>> -> memref<1024xf32, #tpu.memory_space<vmem>>
        %dma_start3A_139 = tpu.memref_slice %arg3[%mul3A_125] : memref<24576xf32, #tpu.memory_space<hbm>> -> memref<1024xf32, #tpu.memory_space<hbm>>
        %dma_start3A_140 = tpu.memref_slice %arg3[%mul3A_125] : memref<24576xf32, #tpu.memory_space<hbm>> -> memref<1024xf32, #tpu.memory_space<hbm>>
        %dma_start3A_141 = arith.constant 0 : i32
        %dma_start3A_142 = tpu.memref_slice %arg6[%dma_start3A_141] : memref<3072xf32, #tpu.memory_space<vmem>> -> memref<1024xf32, #tpu.memory_space<vmem>>
        tpu.enqueue_dma source(%dma_start3A_142 : memref<1024xf32, #tpu.memory_space<vmem>>) target(%dma_start3A_140 : memref<1024xf32, #tpu.memory_space<hbm>>) target_semaphore(%run_scoped3A : memref<!tpu.dma_semaphore, #tpu.memory_space<semaphore_mem>>)
        %dma_wait3A = arith.constant 0 : i32
        %dma_wait3A_143 = tpu.memref_slice %arg6[%dma_wait3A] : memref<3072xf32, #tpu.memory_space<vmem>> -> memref<1024xf32, #tpu.memory_space<vmem>>
        %dma_wait3A_144 = tpu.memref_slice %arg3[%mul3A_125] : memref<24576xf32, #tpu.memory_space<hbm>> -> memref<1024xf32, #tpu.memory_space<hbm>>
        %dma_wait3A_145 = tpu.memref_slice %arg3[%mul3A_125] : memref<24576xf32, #tpu.memory_space<hbm>> -> memref<1024xf32, #tpu.memory_space<hbm>>
        %dma_wait3A_146 = arith.constant 0 : i32
        %dma_wait3A_147 = tpu.memref_slice %arg6[%dma_wait3A_146] : memref<3072xf32, #tpu.memory_space<vmem>> -> memref<1024xf32, #tpu.memory_space<vmem>>
        tpu.wait_dma2 semaphore(%run_scoped3A : memref<!tpu.dma_semaphore, #tpu.memory_space<semaphore_mem>>) src(%dma_wait3A_147 : memref<1024xf32, #tpu.memory_space<vmem>>) dst(%dma_wait3A_145 : memref<1024xf32, #tpu.memory_space<hbm>>)
        tpu.yield
      }) : () -> ()
      %mul3A_126 = arith.constant 3 : i32
      %mul3A_127 = arith.muli %add3A_30, %mul3A_126 : i32
      %add3A_128 = arith.constant 1 : i32
      %add3A_129 = arith.addi %mul3A_127, %add3A_128 : i32
      %mul3A_130 = arith.constant 1024 : i32
      %mul3A_131 = arith.muli %add3A_129, %mul3A_130 : i32
      "tpu.region"() ({
        %run_scoped3A = tpu.sem_alloc : memref<!tpu.dma_semaphore, #tpu.memory_space<semaphore_mem>>
        %dma_start3A = arith.constant 1024 : i32
        %dma_start3A_138 = tpu.memref_slice %arg6[%dma_start3A] : memref<3072xf32, #tpu.memory_space<vmem>> -> memref<1024xf32, #tpu.memory_space<vmem>>
        %dma_start3A_139 = tpu.memref_slice %arg3[%mul3A_131] : memref<24576xf32, #tpu.memory_space<hbm>> -> memref<1024xf32, #tpu.memory_space<hbm>>
        %dma_start3A_140 = tpu.memref_slice %arg3[%mul3A_131] : memref<24576xf32, #tpu.memory_space<hbm>> -> memref<1024xf32, #tpu.memory_space<hbm>>
        %dma_start3A_141 = arith.constant 1024 : i32
        %dma_start3A_142 = tpu.memref_slice %arg6[%dma_start3A_141] : memref<3072xf32, #tpu.memory_space<vmem>> -> memref<1024xf32, #tpu.memory_space<vmem>>
        tpu.enqueue_dma source(%dma_start3A_142 : memref<1024xf32, #tpu.memory_space<vmem>>) target(%dma_start3A_140 : memref<1024xf32, #tpu.memory_space<hbm>>) target_semaphore(%run_scoped3A : memref<!tpu.dma_semaphore, #tpu.memory_space<semaphore_mem>>)
        %dma_wait3A = arith.constant 1024 : i32
        %dma_wait3A_143 = tpu.memref_slice %arg6[%dma_wait3A] : memref<3072xf32, #tpu.memory_space<vmem>> -> memref<1024xf32, #tpu.memory_space<vmem>>
        %dma_wait3A_144 = tpu.memref_slice %arg3[%mul3A_131] : memref<24576xf32, #tpu.memory_space<hbm>> -> memref<1024xf32, #tpu.memory_space<hbm>>
        %dma_wait3A_145 = tpu.memref_slice %arg3[%mul3A_131] : memref<24576xf32, #tpu.memory_space<hbm>> -> memref<1024xf32, #tpu.memory_space<hbm>>
        %dma_wait3A_146 = arith.constant 1024 : i32
        %dma_wait3A_147 = tpu.memref_slice %arg6[%dma_wait3A_146] : memref<3072xf32, #tpu.memory_space<vmem>> -> memref<1024xf32, #tpu.memory_space<vmem>>
        tpu.wait_dma2 semaphore(%run_scoped3A : memref<!tpu.dma_semaphore, #tpu.memory_space<semaphore_mem>>) src(%dma_wait3A_147 : memref<1024xf32, #tpu.memory_space<vmem>>) dst(%dma_wait3A_145 : memref<1024xf32, #tpu.memory_space<hbm>>)
        tpu.yield
      }) : () -> ()
      %mul3A_132 = arith.constant 3 : i32
      %mul3A_133 = arith.muli %add3A_30, %mul3A_132 : i32
      %add3A_134 = arith.constant 2 : i32
      %add3A_135 = arith.addi %mul3A_133, %add3A_134 : i32
      %mul3A_136 = arith.constant 1024 : i32
      %mul3A_137 = arith.muli %add3A_135, %mul3A_136 : i32
      "tpu.region"() ({
        %run_scoped3A = tpu.sem_alloc : memref<!tpu.dma_semaphore, #tpu.memory_space<semaphore_mem>>
        %dma_start3A = arith.constant 2048 : i32
        %dma_start3A_138 = tpu.memref_slice %arg6[%dma_start3A] : memref<3072xf32, #tpu.memory_space<vmem>> -> memref<1024xf32, #tpu.memory_space<vmem>>
        %dma_start3A_139 = tpu.memref_slice %arg3[%mul3A_137] : memref<24576xf32, #tpu.memory_space<hbm>> -> memref<1024xf32, #tpu.memory_space<hbm>>
        %dma_start3A_140 = tpu.memref_slice %arg3[%mul3A_137] : memref<24576xf32, #tpu.memory_space<hbm>> -> memref<1024xf32, #tpu.memory_space<hbm>>
        %dma_start3A_141 = arith.constant 2048 : i32
        %dma_start3A_142 = tpu.memref_slice %arg6[%dma_start3A_141] : memref<3072xf32, #tpu.memory_space<vmem>> -> memref<1024xf32, #tpu.memory_space<vmem>>
        tpu.enqueue_dma source(%dma_start3A_142 : memref<1024xf32, #tpu.memory_space<vmem>>) target(%dma_start3A_140 : memref<1024xf32, #tpu.memory_space<hbm>>) target_semaphore(%run_scoped3A : memref<!tpu.dma_semaphore, #tpu.memory_space<semaphore_mem>>)
        %dma_wait3A = arith.constant 2048 : i32
        %dma_wait3A_143 = tpu.memref_slice %arg6[%dma_wait3A] : memref<3072xf32, #tpu.memory_space<vmem>> -> memref<1024xf32, #tpu.memory_space<vmem>>
        %dma_wait3A_144 = tpu.memref_slice %arg3[%mul3A_137] : memref<24576xf32, #tpu.memory_space<hbm>> -> memref<1024xf32, #tpu.memory_space<hbm>>
        %dma_wait3A_145 = tpu.memref_slice %arg3[%mul3A_137] : memref<24576xf32, #tpu.memory_space<hbm>> -> memref<1024xf32, #tpu.memory_space<hbm>>
        %dma_wait3A_146 = arith.constant 2048 : i32
        %dma_wait3A_147 = tpu.memref_slice %arg6[%dma_wait3A_146] : memref<3072xf32, #tpu.memory_space<vmem>> -> memref<1024xf32, #tpu.memory_space<vmem>>
        tpu.wait_dma2 semaphore(%run_scoped3A : memref<!tpu.dma_semaphore, #tpu.memory_space<semaphore_mem>>) src(%dma_wait3A_147 : memref<1024xf32, #tpu.memory_space<vmem>>) dst(%dma_wait3A_145 : memref<1024xf32, #tpu.memory_space<hbm>>)
        tpu.yield
      }) : () -> ()
    } else {
    }
    return
  }
}

</mosaic_0001>

<sc_bundles>
// kernel: kernel.3.cloned.1.call-start
scs
__scs_entry_jumppad:
0x0: {  	(pc) =	sbr.rel $0x88, $3  }
0x1: {  	(tag) =	ssettag $0x0;
	lr =	simm.s32 $0x1  }
0x2: {  	[smem:$0x3FA0] =	sst lr;
	_ =	strace $0xD0000000  }
0x3: {  	_ = 	snop  }
0x4: {  	_ = 	snop  }
0x5: {  	_ = 	snop  }
0x6: {  	_ = 	snop  }
0x7: {  	_ = 	snop  }
__scs_overlays_trampoline_lowered:
0x8: {  	[smem:$0x3FAF] =	sst s0  }
0x9: {  	[smem:$0x3FB0] =	sst s1  }
0xa: {  	[smem:$0x3FB1] =	sst s2  }
0xb: {  	[smem:$0x3FB2] =	sst s3  }
0xc: {  	[smem:$0x3FB3] =	sst s4  }
0xd: {  	[smem:$0x3FB4] =	sst s5  }
0xe: {  	[smem:$0x3FB5] =	sst s6  }
0xf: {  	[smem:$0x3FB6] =	sst s7  }
0x10: {  	[smem:$0x3FB7] =	sst s8  }
0x11: {  	[smem:$0x3FB8] =	sst s9;
	s0 =	simm.s32 @!p0 $0x0  }
0x12: {  	s1 =	sld [smem:$0x3F9E];
	s0 =	simm.s32 @p0 $0x1  }
0x13: {  	[smem:$0x3FB9] =	sst s0;
	s0 =	simm.s32 @!p1 $0x0  }
0x14: {  	s2 =	sld [smem:$0x3F9D];
	s0 =	simm.s32 @p1 $0x1  }
0x15: {  	[smem:$0x3FBA] =	sst s0;
	s0 =	simm.s32 @!p2 $0x0  }
0x16: {  	s3 =	sld [smem:$0x3FDB];
	s0 =	simm.s32 @p2 $0x1  }
0x17: {  	s4 =	simm.s32 $0x1BF5;
	[smem:$0x3FBC] =	sst s0  }
0x18: {  	s0 =	sld [smem:$0x3F9F];
	_ =	swait.ge [sflag:s4], $0x0  }
0x19: {  	s7 =	sld [smem:$0x3FA0]  }
0x1a: {  	s8 =	sadd.s32 $0xFFFFE003, lr  }
0x1b: {  	s9 =	sadd.s32 $0xFFFFFEF7, lr;
	s5 =	simm.s32 $0xFFFFFFFF;
	p2 =	slt.u32 s8, $0xFFFFF086  }
0x1c: {  	p1 =	slt.u32 s9, $0xF7A;
	s5 =	simm.s32 @!p2 $0x0  }
0x1d: {  	s5 =	simm.s32 @p1 $0x1;
	p0 =	seq.s32 s7, s2  }
0x1e: {  	s7 =	smul.u32 @!p0 $0xF7A, s2;
	p2 =	seq.s32 @!p0 s5, $0x0  }
0x1f: {  	s9 =	smul.u32 $0xF7A, s1;
	s8 =	simm.s32 @!p0 $0x1BF5;
	p2 =	por !p2, p0  }
0x20: {  	[sflag:s8] =	ssyncset.s32 @!p0 $0xFFFFF086;
	s6 =	sadd.s32 @!p0 s3, s7;
	s7 =	simm.s32 @!p0 $0x108  }
0x21: {  	s3 =	sadd.s32 s3, s9;
	s6 =	sadd.s32 @!p0 $0x88, s6;
	s7 =	simm.s32 @p2 $0x1082  }
0x22: {  	[simem:s7], [sflag:s8] =	dma.local @!p0 [hbm:s6], $0xF7A  }
0x23: {  	s9 =	sor.u32 $0xD0000000, s2;
	s6 =	simm.s32 $0x108;
	_ =	swait.ge @!p0 [sflag:s8], $0x0  }
0x24: {  	s3 =	sadd.s32 $0x88, s3;
	s6 =	simm.s32 @!p1 $0x1082;
	[sflag:s4] =	ssyncset.s32 $0xFFFFF086  }
0x25: {  	[simem:s6], [sflag:s4] =	dma.local [hbm:s3], $0xF7A  }
0x26: {  	[smem:$0x3FA0] =	sst s1;
	(tag) =	ssettag s2;
	_ =	strace s9  }
0x27: {  	s1 =	sld [smem:$0x3FB0]  }
0x28: {  	s2 =	sld [smem:$0x3FB1]  }
0x29: {  	s4 =	sld [smem:$0x3FB3]  }
0x2a: {  	p0 =	seq.s32 s5, $0x0;
	s5 =	sld [smem:$0x3FB4]  }
0x2b: {  	s6 =	sld [smem:$0x3FB5]  }
0x2c: {  	s7 =	sld [smem:$0x3FB6]  }
0x2d: {  	s3 =	simm.s32 $0x108;
	s8 =	sld [smem:$0x3FB7]  }
0x2e: {  	s3 =	simm.s32 @!p0 $0x1082;
	s9 =	sld [smem:$0x3FB8]  }
0x2f: {  	lr =	sadd.s32 s0, s3;
	s0 =	sld [smem:$0x3FAF]  }
0x30: {  	s3 =	sld [smem:$0x3FB2]  }
0x31: {  	[smem:$0x3FBB] =	sst s10  }
0x32: {  	s10 =	sld [smem:$0x3FB9];
	_ =	sdelay $0x3  }
0x33: {  	p0 =	seq.s32 s10, $0x1;
	s10 =	sld [smem:$0x3FBB];
	_ =	sdelay $0x3  }
0x34: {  	[smem:$0x3FBB] =	sst s10  }
0x35: {  	s10 =	sld [smem:$0x3FBA];
	_ =	sdelay $0x3  }
0x36: {  	p1 =	seq.s32 s10, $0x1;
	s10 =	sld [smem:$0x3FBB];
	_ =	sdelay $0x3  }
0x37: {  	[smem:$0x3FBB] =	sst s10  }
0x38: {  	s10 =	sld [smem:$0x3FBC]  }
0x39: {  	_ = 	snop;
	(pc) =	sbr.ind lr, $3  }
0x3a: {  	_ = 	snop  }
0x3b: {  	_ = 	snop  }
0x3c: {  	p2 =	seq.s32 s10, $0x1;
	s10 =	sld [smem:$0x3FBB]  }
0x3d: {  	_ =	shalt  }
0x3e: {  	_ =	shalt  }
0x3f: {  	_ =	shalt  }
0x40: {  	_ =	shalt  }
0x41: {  	_ =	shalt  }
0x42: {  	_ =	shalt  }
0x43: {  	_ =	shalt  }
0x44: {  	_ =	shalt  }
0x45: {  	_ =	shalt  }
0x46: {  	_ =	shalt  }
0x47: {  	_ =	shalt  }
0x48: {  	_ =	shalt  }
0x49: {  	_ =	shalt  }
0x4a: {  	_ =	shalt  }
0x4b: {  	_ =	shalt  }
0x4c: {  	_ =	shalt  }
0x4d: {  	_ =	shalt  }
0x4e: {  	_ =	shalt  }
0x4f: {  	_ =	shalt  }
0x50: {  	_ =	shalt  }
0x51: {  	_ =	shalt  }
0x52: {  	_ =	shalt  }
0x53: {  	_ =	shalt  }
0x54: {  	_ =	shalt  }
0x55: {  	_ =	shalt  }
0x56: {  	_ =	shalt  }
0x57: {  	_ =	shalt  }
0x58: {  	_ =	shalt  }
0x59: {  	_ =	shalt  }
0x5a: {  	_ =	shalt  }
0x5b: {  	_ =	shalt  }
0x5c: {  	_ =	shalt  }
0x5d: {  	_ =	shalt  }
0x5e: {  	_ =	shalt  }
0x5f: {  	_ =	shalt  }
0x60: {  	_ =	shalt  }
0x61: {  	_ =	shalt  }
0x62: {  	_ =	shalt  }
0x63: {  	_ =	shalt  }
0x64: {  	_ =	shalt  }
0x65: {  	_ =	shalt  }
0x66: {  	_ =	shalt  }
0x67: {  	_ =	shalt  }
0x68: {  	_ =	shalt  }
0x69: {  	_ =	shalt  }
0x6a: {  	_ =	shalt  }
0x6b: {  	_ =	shalt  }
0x6c: {  	_ =	shalt  }
0x6d: {  	_ =	shalt  }
0x6e: {  	_ =	shalt  }
0x6f: {  	_ =	shalt  }
0x70: {  	_ =	shalt  }
0x71: {  	_ =	shalt  }
0x72: {  	_ =	shalt  }
0x73: {  	_ =	shalt  }
0x74: {  	_ =	shalt  }
0x75: {  	_ =	shalt  }
0x76: {  	_ =	shalt  }
0x77: {  	_ =	shalt  }
0x78: {  	_ =	shalt  }
0x79: {  	_ =	shalt  }
0x7a: {  	_ =	shalt  }
0x7b: {  	_ =	shalt  }
0x7c: {  	_ =	shalt  }
0x7d: {  	_ =	shalt  }
0x7e: {  	_ =	shalt  }
0x7f: {  	_ =	shalt  }
0x80: {  	_ =	shalt  }
0x81: {  	_ =	shalt  }
0x82: {  	_ =	shalt  }
0x83: {  	_ =	shalt  }
0x84: {  	_ =	shalt  }
0x85: {  	_ =	shalt  }
0x86: {  	_ =	shalt  }
0x87: {  	_ =	shalt  }
.Lfunc_end0:
.L_simem_size_0:
called_computation_lowered:
.L_overlay_start_0:
0x88: {  	s2 =	sld [smem:$0x3FD9]  }
0x89: {  	s3 =	sld [smem:$0x3FFE];
	_ =	sdelay $0x1  }
0x8a: {  	s1 =	srdreg.scid  }
0x8b: {  	s0 =	sand.u32 $0x1, s1  }
0x8c: {  	s17 =	sshll.u32 s0, $0xA;
	s2 =	sadd.s32 s3, s2  }
0x8d: {  	s2 =	sadd.s32 s2, s17  }
0x8e: {  	[smem:$0x3FC7] =	sst s2  }
0x8f: {  	_ = 	snop  }
0x90: {  	s2 =	sld [smem:$0x3FD0];
	(tm) =	ssettm $0x1  }
0x91: {  	s18 =	sld [smem:$0x3FFB];
	_ =	sdelay $0x3  }
0x92: {  	_ =	strace s18  }
0x93: {  	s3 =	sld [smem:$0x3FFC];
	_ =	sdelay $0x3  }
0x94: {  	_ =	strace s3  }
0x95: {  	s3 =	sld [smem:$0x3FFD];
	_ =	sdelay $0x3  }
0x96: {  	_ =	strace s3  }
0x97: {  	_ =	strace $0x8FFFFFFF  }
0x98: {  	s19 =	sld [smem:$0x3FDB];
	_ =	sdelay $0x1  }
0x99: {  	s4 =	simm.s32 $_scs_section_size  }
0x9a: {  	s5 =	simm.s32 $_size__tile_overlayer_lowered;
	s6 =	simm.s32 $_tile_overlayer_lowered  }
0x9b: {  	s22 =	simm.s32 $0x1BFF;
	s21 =	sshll.u32 s6, $0x1;
	s3 =	sadd.s32 s4, s19  }
0x9c: {  	s7 =	simm.s32 $0x0;
	s20 =	sshll.u32 s5, $0x1;
	s5 =	sadd.s32 s21, s3  }
0x9d: {  	[timem:s7], [sflag:s22] =	dma.local [hbm:s5], s20  }
0x9e: {  	_ =	swait.ge [sflag:s22], s20  }
0x9f: {  	s4 =	ssub.s32 $0x0, s20;
	[sflag:s22] =	ssyncset.done $0x0  }
0xa0: {  	[sflag:s22] =	ssyncadd.s32 s4;
	_ =	sdelay $0x1  }
0xa1: {  	s23 =	simm.s32 $0x1B8B  }
0xa2: {  	_ =	swait.ge [sflag:s23], $0x1  }
0xa3: {  	[sflag:s23] =	ssyncset.done $0x0  }
0xa4: {  	s25 =	simm.s32 $0x1B8E;
	s24 =	sld [smem:$0x3FFE];
	[sflag:s23] =	ssyncadd.s32 $0xFFFFFFFF  }
0xa5: {  	s26 =	simm.s32 $execute0_lowered;
	[smem:$0x3FD2] =	sst s25  }
0xa6: {  	s5 =	sshll.u32 s26, $0x1;
	_ =	strace $0x80000046;
	[dreg:$0x1] =	wrdreg $0xFFFFFFFF  }
0xa7: {  	s28 =	simm.s32 $_size_execute0_lowered;
	s3 =	sadd.s32 s3, s5;
	[dreg:$0x0] =	wrdreg $0x0  }
0xa8: {  	s5 =	sshll.u32 s28, $0x1;
	[dreg:$0x2] =	wrdreg s3  }
0xa9: {  	[dreg:$0x3] =	wrdreg s5  }
0xaa: {  	[dreg:$0x4] =	wrdreg $0xC0  }
0xab: {  	_ =	task [dreg:s7], $0x5FFFF  }
0xac: {  	[dreg:$0x1] =	wrdreg $0xFFFFFFFF  }
0xad: {  	[dreg:$0x0] =	wrdreg $0x60  }
0xae: {  	[dreg:$0x2] =	wrdreg s24  }
0xaf: {  	[dreg:$0x3] =	wrdreg s2  }
0xb0: {  	[dreg:$0x4] =	wrdreg $0x4D800  }
0xb1: {  	[dreg:$0x5] =	wrdreg $0x9  }
0xb2: {  	_ =	task.clear_ibuf [dreg:s7], $0x6FFFF;
	_ =	strace $0x90000046  }
0xb3: {  	s29 =	simm.s32 $0x9;
	_ =	strace $0x80000048  }
0xb4: {  	_ =	swait.ge [sflag:s29], $0x1  }
0xb5: {  	[sflag:s29] =	ssyncadd.s32 $0xFFFFFFFF  }
0xb6: {  	_ =	strace $0x90000048  }
0xb7: {  	_ =	sfence  }
0xb8: {  	s30 =	sld [smem:$0x0];
	_ =	sdelay $0x2  }
0xb9: {  	s31 =	sshll.u32 s1, $0xD;
	s1 =	sshrl.u32 s1, $0x2  }
0xba: {  	s3 =	sand.u32 $0x4000, s31;
	s1 =	sadd.s32 s1, s30  }
0xbb: {  	s0 =	sor.u32 s3, s0;
	s1 =	sshll.u32 s1, $0x11  }
0xbc: {  	s0 =	sor.u32 s1, s0  }
0xbd: {  	s0 =	sadd.s32 $0x8F2B, s0  }
0xbe: {  	[sflag:s0] =	ssyncadd.remote.s32 $0x1  }
0xbf: {  	_ =	sfence.sel $0xFFFF  }
0xc0: {  	[dreg:$0x0] =	wrdreg $0xFFFFFFFF;
	(pc) =	sbr.abs _section_cstart, $3  }
0xc1: {  	[dreg:$0x1] =	wrdreg $0xFFFFFFFF  }
0xc2: {  	_ =	task.clear_ibuf [dreg:s7], $0x2FFFF;
	_ =	strace $0x9FFFFFFF  }
0xc3: {  	(tm) =	ssettm $0x7FFFFFFF  }
tec
execute0_lowered:
.L_overlay_start_1:
0x0: {  	(tag) =	ssettag $0x1  }
0x1: {  	s6 =	rddreg [dreg:$0x0]  }
0x2: {  	s2 =	rddreg [dreg:$0x1]  }
0x3: {  	s1 =	rddreg [dreg:$0x2];
	s0 =	srdreg.scid  }
0x4: {  	v0 =	vimm.f32 $1.500000000e+01;
	s8 =	stileid.u32;
	s3 =	simm.s32 $0x0;
	s28 =	simm.s32 $0x4C80  }
0x5: {  	vm0 =	vcmask $0x300;
	vm1 =	vcmask $0x3F10;
	vm2 =	vcmask $0x3F0C;
	s29 =	simm.s32 $0x0;
	s5 =	sand.u32 $0x1, s0;
	s4 =	sshrl.u32 s8, $0x2  }
0x6: {  	vm3 =	vcmask $0x3F08;
	vm4 =	vcmask $0x3F04;
	v9 =	vimm.s32 $0x31211101;
	[smem:$0x7FF] =	sst s3;
	s6 =	sadd.s32 $0x400, s6;
	s0 =	sshll.u32 s5, $0x2  }
0x7: {  	v10 =	vimm.s32 $0x32221202;
	v11 =	vimm.s32 $0x33231303;
	_ =	strace $0x80000047;
	s9 =	ssub.s32 $0x2, s5;
	s7 =	sor.u32 s4, s0  }
0x8: {  	v8 =	vimm.s32 $0x30201000;
	v12 =	vimm.s32 $0x34241404;
	vm5 =	vcmask $0xF00;
	s0 =	sand.u32 $0x3, s8;
	s11 =	sshrl.u32 s9, $0x1;
	s31 =	smul.u32 $0xC000, s7  }
0x9: {  	v0 =	vsel vm0, $0x0, v0;
	vm0 =	vcmask $0x704;
	v8 =	vunpack.c.0.s8.s32 v8;
	s5 =	sshll.u32 s0, $0xC;
	s10 =	smul.u32 $0x3, s7;
	s9 =	ssub.s32 s9, s11  }
0xa: {  	v9 =	vunpack.c.0.s8.s32 v9;
	v10 =	vunpack.c.0.s8.s32 v10;
	v11 =	vunpack.c.0.s8.s32 v11;
	s24 =	smul.u32 $0x180, s7;
	s25 =	sshll.u32 s0, $0x6;
	p0 =	sne.s32 s0, $0x0  }
0xb: {  	v12 =	vunpack.c.0.s8.s32 v12;
	v0 =	vsel vm0, $0x3F800000, v0;
	vm0 =	vcmask $0xB08;
	s25 =	sshrl.u32 s25, $0x2;
	s12 =	sor.u32 s5, s31;
	s15 =	sadd.s32 $0x1, s10  }
0xc: {  	v0 =	vsel vm0, $0x40000000, v0;
	vm0 =	vcmask $0xF0C;
	v8 =	vnsel vm5, $0x30, v8;
	s13 =	sadd.s32 $0x2, s10;
	s8 =	sshrl.u32 s31, $0x3;
	s31 =	smax.u32 s9, $0x1  }
0xd: {  	v9 =	vnsel vm5, $0x31, v9;
	v0 =	vsel vm0, $0x40400000, v0;
	vm0 =	vcmask $0x1310;
	s14 =	sshrl.u32 s12, $0x3;
	s16 =	sshll.u32 s15, $0xE;
	s18 =	sshll.u32 s13, $0xE  }
0xe: {  	v10 =	vnsel vm5, $0x32, v10;
	v0 =	vsel vm0, $0x40800000, v0;
	vm0 =	vcmask $0x1714;
	s8 =	sadd.s32 s6, s8;
	s21 =	sshll.u32 s15, $0xB;
	s23 =	sshll.u32 s13, $0xB  }
0xf: {  	v11 =	vnsel vm5, $0x33, v11;
	v0 =	vsel vm0, $0x40A00000, v0;
	vm0 =	vcmask $0x1B18;
	s26 =	sshll.u32 s15, $0x7;
	[dreg:$0xd] =	wrdreg s31;
	s11 =	sadd.s32 s6, s14  }
0x10: {  	v12 =	vnsel vm5, $0x34, v12;
	v0 =	vsel vm0, $0x40C00000, v0;
	vm0 =	vcmask $0x1F1C;
	s17 =	sor.u32 s5, s16;
	[dreg:$0x5] =	wrdreg s8;
	s20 =	sor.u32 s5, s18  }
0x11: {  	vm5 =	vmmov $0xf;
	v1 =	vsel vm0, $0x40E00000, v0;
	vm0 =	vcmask $0x2320;
	s30 =	sadd.s32 s2, s26;
	[dreg:$0x4] =	wrdreg s11;
	s19 =	sshrl.u32 s17, $0x3  }
0x12: {  	v0 =	vimm.s32 $0x10;
	v2 =	vsel vm0, $0x41000000, v1;
	vm0 =	vcmask $0x2724;
	s10 =	sshrl.u32 s20, $0x3;
	[dreg:$0xb] =	wrdreg s30;
	s8 =	sadd.s32 s6, s19  }
0x13: {  	s14 =	sshll.u32 s13, $0x7;
	v1 =	vimm.s32 $0x20;
	v3 =	vsel vm0, $0x41100000, v2;
	vm0 =	vcmask $0x2B28;
	s22 =	sadd.s32 s6, s10;
	[dreg:$0x6] =	wrdreg s8  }
0x14: {  	s16 =	sor.u32 $0x40, s5;
	v2 =	vimm.s32 $0x30;
	v4 =	vsel vm0, $0x41200000, v3;
	vm0 =	vcmask $0x2F2C;
	s8 =	sadd.s32 s6, s21;
	[dreg:$0x8] =	wrdreg s22  }
0x15: {  	s18 =	simm.s32 $0x1;
	v3 =	vimm.s32 $0x0;
	s6 =	sadd.s32 s6, s23;
	v5 =	vsel vm0, $0x41300000, v4;
	vm0 =	vcmask $0x3330;
	[dreg:$0x7] =	wrdreg s8  }
0x16: {  	s26 =	simm.s32 $0x4C00;
	v4 =	vimm.s32 $0x400;
	[dreg:$0x9] =	wrdreg s6;
	s6 =	sadd.s32 s2, s24;
	v6 =	vsel vm0, $0x41400000, v5;
	vm0 =	vcmask $0x3734  }
0x17: {  	s11 =	scvt.s32.f32 s5;
	s2 =	sadd.s32 s2, s14;
	v5 =	vimm.s32 $0x800;
	[dreg:$0xa] =	wrdreg s6;
	v7 =	vsel vm0, $0x41500000, v6;
	vm0 =	vcmask $0x3B38  }
0x18: {  	s23 =	simm.s32 $0x4D00;
	s24 =	simm.s32 $0x4000;
	[dreg:$0xc] =	wrdreg s2;
	v6 =	vimm.f32 $+Inf;
	v7 =	vsel vm0, $0x41600000, v7;
	vm0 =	vcmask $0x3F14  }
.LBB2_1:
0x19: {  	s0 =	rddreg [dreg:$0x4]  }
0x1a: {  	[tilespmem:s3], [sflag:$0x1] =	stream.linear.gather [hbm4b:s0+s3], $0x1000, $0x38;
	[tilespmem:$0x4DA0] =	vst v63  }
0x1b: {  	_ =	swait.ge [sflag:s18], $0x1000  }
0x1c: {  	[sflag:s18] =	ssyncset.done $0x0  }
0x1d: {  	s2 =	simm.s32 $0x4D10;
	s14 =	rddreg [dreg:$0x5];
	[sflag:s18] =	ssyncadd.s32 $0xFFFFF000  }
0x1e: {  	[tilespmem:s2], [sflag:$0x1] =	stream.linear.gather [hbm4b:s14+s3], $0x10, $0x38;
	[tilespmem:$0x4DA0] =	vst v63  }
0x1f: {  	_ =	swait.ge [sflag:s18], $0x10  }
0x20: {  	[sflag:s18] =	ssyncset.done $0x0  }
0x21: {  	s17 =	simm.s32 $0x1000;
	s15 =	rddreg [dreg:$0x6];
	[sflag:s18] =	ssyncadd.s32 $0xFFFFFFF0  }
0x22: {  	[tilespmem:s17], [sflag:$0x1] =	stream.linear.gather [hbm4b:s15+s3], $0x1000, $0x38;
	[tilespmem:$0x4DA0] =	vst v63  }
0x23: {  	_ =	swait.ge [sflag:s18], $0x1000  }
0x24: {  	[sflag:s18] =	ssyncset.done $0x0  }
0x25: {  	s20 =	simm.s32 $0x4D20;
	s19 =	rddreg [dreg:$0x7];
	[sflag:s18] =	ssyncadd.s32 $0xFFFFF000  }
0x26: {  	[tilespmem:s20], [sflag:$0x1] =	stream.linear.gather [hbm4b:s19+s3], $0x10, $0x38;
	[tilespmem:$0x4DA0] =	vst v63  }
0x27: {  	_ =	swait.ge [sflag:s18], $0x10  }
0x28: {  	[sflag:s18] =	ssyncset.done $0x0  }
0x29: {  	s22 =	simm.s32 $0x2000;
	s21 =	rddreg [dreg:$0x8];
	[sflag:s18] =	ssyncadd.s32 $0xFFFFFFF0  }
0x2a: {  	[tilespmem:s22], [sflag:$0x1] =	stream.linear.gather [hbm4b:s21+s3], $0x1000, $0x38;
	[tilespmem:$0x4DA0] =	vst v63  }
0x2b: {  	_ =	swait.ge [sflag:s18], $0x1000  }
0x2c: {  	[sflag:s18] =	ssyncset.done $0x0  }
0x2d: {  	s31 =	simm.s32 $0x4D30;
	s30 =	rddreg [dreg:$0x9];
	[sflag:s18] =	ssyncadd.s32 $0xFFFFF000  }
0x2e: {  	[tilespmem:s31], [sflag:$0x1] =	stream.linear.gather [hbm4b:s30+s3], $0x10, $0x38;
	[tilespmem:$0x4DA0] =	vst v63  }
0x2f: {  	_ =	swait.ge [sflag:s18], $0x10  }
0x30: {  	[sflag:s18] =	ssyncset.done $0x0  }
0x31: {  	[sflag:s18] =	ssyncadd.s32 $0xFFFFFFF0  }
0x32: {  	v14 =	vld.idx.msk [tilespmem:v0+s23+$0x0], $0xffff  }
0x33: {  	v15 =	vld.idx.msk [tilespmem:v1+s23+$0x0], $0xffff  }
0x34: {  	v13 =	vld.idx.msk [tilespmem:v2+s23+$0x0], $0xffff;
	_ =	sdelay $0x2  }
0x35: {  	[tilespmem:v3+s24+$0x0] =	vst.idx.msk $0x1, v14  }
0x36: {  	[tilespmem:v4+s24+$0x0] =	vst.idx.msk $0x1, v15  }
0x37: {  	s0 =	simm.s32 $0x0;
	[tilespmem:v5+s24+$0x0] =	vst.idx.msk $0x1, v13  }
.LBB2_2:
0x38: {  	p1 =	sne.s32 s0, $0x3FC0  }
.Ltmp0:
0x39: {  	_ = 	snop;
	(pc) =	sbr.rel @p1 .LBB2_2-.Ltmp0, $3  }
0x3a: {  	_ =	sdelay $0x1  }
0x3b: {  	s2 =	sshra.s32 s0, $0x2  }
0x3c: {  	s0 =	sadd.s32 $0x40, s0;
	[tilespmem:s2+$0x3000] =	vst v6  }
0x3d: {  	s30 =	simm.s32 $0x0  }
.LBB2_4:
0x3e: {  	s0 =	simm.s32 $0x1040  }
0x3f: {  	v16 =	vld [tilespmem:s0+$0xFFFFEFC0]  }
0x40: {  	v17 =	vld [tilespmem:s0+$0xFFFFFFC0];
	_ =	sdelay $0x1  }
0x41: {  	v18 =	vld [tilespmem:s0+$0xFC0];
	_ =	sdelay $0x2  }
0x42: {  	v16 =	vsub.f32 v16, v14;
	v17 =	vsub.f32 v17, v15  }
0x43: {  	s31 =	simm.s32 $0x3040;
	v19 =	vld [tilespmem:s0+$0x0]  }
0x44: {  	v20 =	vld [tilespmem:s31+$0xFFFFFFC0];
	v18 =	vsub.f32 v18, v13;
	v16 =	vmul.f32 v16, v16;
	v17 =	vmul.f32 v17, v17  }
0x45: {  	v21 =	vld [tilespmem:s0+$0xFFFFF000]  }
0x46: {  	v16 =	vadd.f32 v17, v16;
	v17 =	vmul.f32 v18, v18  }
0x47: {  	v18 =	vld [tilespmem:s0+$0x1000]  }
0x48: {  	v16 =	vadd.f32 v17, v16;
	_ =	sdelay $0x1  }
0x49: {  	v17 =	vsub.f32 v19, v15;
	v22 =	vmin.f32 v20, v16;
	v16 =	vsub.f32 v21, v14;
	_ =	sdelay $0x1  }
0x4a: {  	v17 =	vmul.f32 v17, v17;
	v18 =	vsub.f32 v18, v13;
	v16 =	vmul.f32 v16, v16  }
0x4b: {  	v20 =	vld [tilespmem:s31+$0x0]  }
0x4c: {  	[tilespmem:s31+$0xFFFFFFC0] =	vst v22;
	v16 =	vadd.f32 v17, v16;
	v17 =	vmul.f32 v18, v18  }
0x4d: {  	v19 =	vld [tilespmem:s0+$0xFFFFEFD0]  }
0x4e: {  	v21 =	vld [tilespmem:s0+$0xFFFFFFD0];
	v16 =	vadd.f32 v17, v16;
	_ =	sdelay $0x1  }
0x4f: {  	v18 =	vld [tilespmem:s0+$0xFD0];
	v17 =	vmin.f32 v20, v16  }
0x50: {  	[tilespmem:s31+$0x0] =	vst v17  }
0x51: {  	v23 =	vld [tilespmem:s0+$0x10]  }
0x52: {  	v16 =	vsub.f32 v19, v14;
	v19 =	vsub.f32 v21, v15;
	v24 =	vld [tilespmem:s0+$0xFFFFF010]  }
0x53: {  	s2 =	sadd.s32 $0xFFFFFFE0, s16;
	s8 =	scvt.s32.f32 s16;
	v21 =	vimm.f32 $-Inf  }
0x54: {  	s2 =	scvt.s32.f32 s2;
	v18 =	vsub.f32 v18, v13;
	v16 =	vmul.f32 v16, v16;
	v19 =	vmul.f32 v19, v19;
	v26 =	vld [tilespmem:s0+$0x1010]  }
0x55: {  	s7 =	sadd.s32 $0xFFFFFFC0, s16;
	s17 =	simm.s32 $0x10C0;
	v25 =	vld [tilespmem:s31+$0xFFFFFFD0];
	v31 =	vadd.f32 s8, v7;
	vm6 =	vgt.f32 v22, v21  }
0x56: {  	v27 =	vld [tilespmem:s17+$0xFFFFEFC0];
	v18 =	vmul.f32 v18, v18;
	v20 =	vadd.f32 v19, v16;
	v19 =	vadd.f32 s2, v7;
	s2 =	scvt.s32.f32 s7  }
0x57: {  	s5 =	sadd.s32 $0x30, s16;
	s19 =	sadd.s32 $0x80, s16;
	v28 =	vld [tilespmem:s17+$0xFFFFFFC0];
	v22 =	vsel vm6, v22, v21;
	v23 =	vsub.f32 v23, v15;
	v24 =	vsub.f32 v24, v14  }
0x58: {  	s5 =	scvt.s32.f32 s5;
	s9 =	sadd.s32 $0xFFFFFFE0, s19;
	v18 =	vadd.f32 v18, v20;
	v20 =	vimm.f32 $0.0e+00;
	v29 =	vadd.f32 s2, v7  }
0x59: {  	v30 =	vld [tilespmem:s17+$0xFC0];
	s2 =	scvt.s32.f32 s9;
	v26 =	vsub.f32 v26, v13;
	v23 =	vmul.f32 v23, v23;
	v24 =	vmul.f32 v24, v24  }
0x5a: {  	s21 =	simm.s32 $0x30C0;
	s10 =	sadd.s32 $0x30, s19;
	v32 =	vld [tilespmem:s31+$0x10];
	v16 =	vadd.f32 s5, v7;
	v25 =	vmin.f32 v25, v18;
	v29 =	vsel vm6, v29, v20  }
0x5b: {  	v36 =	vld [tilespmem:s21+$0xFFFFFFC0];
	s5 =	scvt.s32.f32 s10;
	v18 =	vadd.f32 s2, v7;
	[tilespmem:s31+$0xFFFFFFD0] =	vst v25;
	v23 =	vadd.f32 v23, v24;
	v24 =	vmul.f32 v26, v26  }
0x5c: {  	s12 =	sadd.s32 $0xFFFFFFD0, s16;
	s14 =	sadd.s32 $0x10, s16;
	vm6 =	vgt.f32 v17, v22;
	v33 =	vld [tilespmem:s0+$0xFFFFEFE0];
	v26 =	vsub.f32 v27, v14;
	v27 =	vsub.f32 v28, v15  }
0x5d: {  	s15 =	scvt.s32.f32 s14;
	s2 =	scvt.s32.f32 s12;
	v35 =	vsel vm6, v17, v22;
	v17 =	vadd.f32 s5, v7;
	v28 =	vld [tilespmem:s0+$0xFFFFFFE0];
	v22 =	vadd.f32 v24, v23  }
0x5e: {  	s6 =	sadd.s32 $0x20, s16;
	v34 =	vld [tilespmem:s0+$0xFE0];
	v24 =	vmul.f32 v26, v26;
	v26 =	vmul.f32 v27, v27;
	v27 =	vsub.f32 v30, v13  }
0x5f: {  	s13 =	scvt.s32.f32 s6;
	v38 =	vld [tilespmem:s17+$0x1000];
	v29 =	vsel vm6, v31, v29;
	v31 =	vadd.f32 s15, v7;
	v30 =	vadd.f32 s2, v7  }
0x60: {  	s20 =	sadd.s32 $0xFFFFFFC0, s19;
	v23 =	vld [tilespmem:s17+$0x0];
	v32 =	vmin.f32 v32, v22;
	v24 =	vadd.f32 v26, v24;
	v26 =	vmul.f32 v27, v27  }
0x61: {  	vm7 =	vgt.f32 v25, v21;
	s2 =	scvt.s32.f32 s20;
	v22 =	vadd.f32 s13, v7;
	v27 =	vld [tilespmem:s17+$0xFFFFF000];
	v33 =	vsub.f32 v33, v14;
	[tilespmem:s31+$0x10] =	vst v32  }
0x62: {  	v25 =	vsel vm7, v25, v21;
	v28 =	vsub.f32 v28, v15;
	v37 =	vld [tilespmem:s0+$0xFFFFF020];
	v24 =	vadd.f32 v26, v24  }
0x63: {  	v55 =	vld [tilespmem:s31+$0xFFFFFFE0];
	v30 =	vsel vm7, v30, v20;
	v63 =	vadd.f32 s2, v7;
	v26 =	vsub.f32 v34, v13  }
0x64: {  	v33 =	vmul.f32 v33, v33;
	v54 =	vld [tilespmem:s0+$0x20];
	v28 =	vmul.f32 v28, v28;
	v24 =	vmin.f32 v36, v24  }
0x65: {  	vm6 =	vgt.f32 v32, v25;
	v39 =	vld [tilespmem:s0+$0x1020];
	v23 =	vsub.f32 v23, v15;
	v56 =	vmul.f32 v26, v26;
	[tilespmem:s21+$0xFFFFFFC0] =	vst v24  }
0x66: {  	v26 =	vsel vm6, v32, v25;
	v27 =	vsub.f32 v27, v14;
	v28 =	vadd.f32 v28, v33;
	v40 =	vld [tilespmem:s17+$0xFFFFEFD0]  }
0x67: {  	v25 =	vsel vm6, v31, v30;
	v30 =	vsub.f32 v38, v13;
	v58 =	vld [tilespmem:s17+$0xFFFFFFD0];
	v57 =	vsub.f32 v37, v14  }
0x68: {  	v23 =	vmul.f32 v23, v23;
	v27 =	vmul.f32 v27, v27;
	v28 =	vadd.f32 v56, v28  }
0x69: {  	s22 =	scvt.s32.f32 s19;
	vm7 =	vgt.f32 v24, v35;
	v59 =	vld [tilespmem:s17+$0xFD0];
	v31 =	vsub.f32 v54, v15;
	v60 =	vmul.f32 v57, v57  }
0x6a: {  	v23 =	vadd.f32 v23, v27;
	v32 =	vmin.f32 v55, v28;
	v27 =	vmul.f32 v30, v30  }
0x6b: {  	v61 =	vld [tilespmem:s21+$0x0];
	v30 =	vsub.f32 v39, v13;
	v62 =	vmul.f32 v31, v31;
	v28 =	vadd.f32 s22, v7;
	[tilespmem:s31+$0xFFFFFFE0] =	vst v32  }
0x6c: {  	vm6 =	vgt.f32 v32, v21;
	v31 =	vsub.f32 v40, v14;
	v41 =	vld [tilespmem:s0+$0xFFFFEFF0];
	v37 =	vsub.f32 v58, v15  }
0x6d: {  	v34 =	vld [tilespmem:s31+$0x20];
	v42 =	vmul.f32 v30, v30;
	v23 =	vadd.f32 v27, v23;
	v27 =	vadd.f32 v62, v60  }
0x6e: {  	v44 =	vsub.f32 v59, v13;
	v33 =	vld [tilespmem:s0+$0xFF0];
	v30 =	vsel vm7, v63, v29;
	v29 =	vsel vm7, v24, v35  }
0x6f: {  	s6 =	sadd.s32 $0x20, s19;
	s8 =	sadd.s32 $0xFFFFFFF0, s16;
	v36 =	vld [tilespmem:s21+$0xFFFFFFD0];
	v24 =	vimm.f32 $-Inf;
	v43 =	vmul.f32 v31, v31;
	v37 =	vmul.f32 v37, v37  }
0x70: {  	s7 =	smov.u32 s19;
	s9 =	simm.s32 $0x2;
	s5 =	sadd.s32 $0xFFFFFFD0, s19;
	v31 =	vld [tilespmem:s0+$0xFFFFFFF0];
	v35 =	vmin.f32 v61, v23;
	v38 =	vadd.f32 v42, v27;
	v40 =	vmul.f32 v44, v44  }
0x71: {  	s20 =	sadd.s32 $0xFFFFFFF0, s19;
	s2 =	simm.s32 $0x30C0;
	s22 =	simm.s32 $0x10C0;
	v27 =	vld [tilespmem:s31+$0x30];
	v23 =	vimm.f32 $0.0e+00;
	[tilespmem:s21+$0x0] =	vst v35;
	v39 =	vadd.f32 v37, v43;
	v37 =	vsub.f32 v41, v14  }
.LBB2_5:
0x72: {  	s9 =	sadd.s32 $0x2, s9;
	vm7 =	vgt.f32 v35, v29;
	v41 =	vld [tilespmem:s17+$0x1010];
	s19 =	sadd.s32 $0x80, s19;
	v21 =	vsel vm6, v32, v21;
	v32 =	vmin.f32 v34, v38  }
0x73: {  	s10 =	sadd.s32 $0xFFFFFFD0, s19;
	s12 =	sadd.s32 $0xFFFFFFE0, s19;
	s13 =	sadd.s32 $0x30, s19;
	v34 =	vadd.f32 v40, v39;
	v38 =	vld [tilespmem:s17+$0x10];
	v33 =	vsub.f32 v33, v13;
	v37 =	vmul.f32 v37, v37;
	[tilespmem:s31+$0x20] =	vst v32  }
0x74: {  	v20 =	vsel vm6, v19, v20;
	v19 =	vmovc v18;
	s14 =	sadd.s32 $0x20, s19;
	v29 =	vsel vm7, v35, v29;
	vm6 =	vgt.f32 v32, v21;
	s12 =	scvt.s32.f32 s12;
	s13 =	scvt.s32.f32 s13;
	v35 =	vld [tilespmem:s17+$0xFFFFF010]  }
0x75: {  	s8 =	scvt.s32.f32 s8;
	s15 =	sadd.s32 $0xFFFFFFF0, s19;
	p1 =	slt.u32 s9, $0x1E;
	v21 =	vsel vm6, v32, v21;
	v20 =	vsel vm6, v22, v20;
	v34 =	vmin.f32 v36, v34;
	v32 =	vld [tilespmem:s0+$0x1030]  }
0x76: {  	s6 =	scvt.s32.f32 s6;
	v18 =	vadd.f32 s12, v7;
	v36 =	vadd.f32 s13, v7;
	[tilespmem:s21+$0xFFFFFFD0] =	vst v34;
	s12 =	scvt.s32.f32 s5;
	vm6 =	vgt.f32 v34, v26;
	s5 =	sadd.s32 $0x10, s7;
	v39 =	vld [tilespmem:s0+$0xFFFFF030]  }
0x77: {  	v40 =	vadd.f32 s8, v7;
	s7 =	smov.u32 s19;
	v26 =	vsel vm6, v34, v26;
	v34 =	vsub.f32 v41, v13;
	s13 =	scvt.s32.f32 s5;
	v41 =	vld [tilespmem:s0+$0x30];
	s5 =	smov.u32 s10  }
0x78: {  	v30 =	vsel vm7, v28, v30;
	v22 =	vadd.f32 s6, v7;
	s17 =	sadd.s32 $0x80, s17;
	s6 =	smov.u32 s14;
	s8 =	smov.u32 s20;
	v42 =	vadd.f32 s12, v7;
	v43 =	vld [tilespmem:s22+$0xFE0]  }
0x79: {  	v31 =	vsub.f32 v31, v15;
	s20 =	smov.u32 s15;
	s0 =	smov.u32 s22;
	s22 =	smov.u32 s17;
	v28 =	vld [tilespmem:s17+$0xFFFFEFC0];
	v44 =	vadd.f32 s13, v7  }
0x7a: {  	v38 =	vsub.f32 v38, v15;
	v45 =	vld [tilespmem:s17+$0xFFFFFFC0];
	v25 =	vsel vm6, v42, v25;
	v32 =	vsub.f32 v32, v13  }
0x7b: {  	v31 =	vmul.f32 v31, v31;
	v33 =	vmul.f32 v33, v33;
	v35 =	vsub.f32 v35, v14;
	v42 =	vld [tilespmem:s31+$0xFFFFFFF0]  }
0x7c: {  	v38 =	vmul.f32 v38, v38;
	v39 =	vsub.f32 v39, v14;
	v46 =	vld [tilespmem:s17+$0xFC0];
	v41 =	vsub.f32 v41, v15  }
0x7d: {  	v31 =	vadd.f32 v31, v37;
	v35 =	vmul.f32 v35, v35;
	v43 =	vsub.f32 v43, v13;
	v47 =	vld [tilespmem:s21+$0x10]  }
0x7e: {  	v39 =	vmul.f32 v39, v39;
	v28 =	vsub.f32 v28, v14;
	v37 =	vld [tilespmem:s0+$0xFFFFEFE0];
	v41 =	vmul.f32 v41, v41  }
0x7f: {  	v34 =	vmul.f32 v34, v34;
	v35 =	vadd.f32 v38, v35;
	v45 =	vsub.f32 v45, v15;
	v48 =	vld [tilespmem:s0+$0xFFFFFFE0]  }
0x80: {  	v31 =	vadd.f32 v33, v31;
	v32 =	vmul.f32 v32, v32;
	s21 =	sadd.s32 $0x80, s21;
	v38 =	vld [tilespmem:s17+$0x0];
	v33 =	vadd.f32 v41, v39  }
0x81: {  	v34 =	vadd.f32 v34, v35;
	v28 =	vmul.f32 v28, v28;
	v39 =	vmul.f32 v45, v45;
	v41 =	vld [tilespmem:s21+$0xFFFFFFC0]  }
0x82: {  	v31 =	vmin.f32 v42, v31;
	v35 =	vsub.f32 v46, v13;
	v32 =	vadd.f32 v32, v33  }
0x83: {  	v34 =	vmin.f32 v47, v34;
	v28 =	vadd.f32 v39, v28;
	v33 =	vsub.f32 v37, v14;
	[tilespmem:s31+$0xFFFFFFF0] =	vst v31  }
0x84: {  	v35 =	vmul.f32 v35, v35;
	v37 =	vld [tilespmem:s17+$0xFFFFF000];
	v39 =	vsub.f32 v48, v15;
	[tilespmem:s2+$0x10] =	vst v34;
	v27 =	vmin.f32 v27, v32  }
0x85: {  	vm6 =	vgt.f32 v31, v24;
	v32 =	vsub.f32 v38, v15;
	v33 =	vmul.f32 v33, v33;
	v38 =	vld [tilespmem:s0+$0xFFFFF020];
	[tilespmem:s31+$0x30] =	vst v27;
	s31 =	smov.u32 s2;
	s2 =	smov.u32 s21  }
0x86: {  	v24 =	vsel vm6, v31, v24;
	v23 =	vsel vm6, v40, v23;
	v28 =	vadd.f32 v35, v28;
	v35 =	vld [tilespmem:s17+$0x1000]  }
0x87: {  	vm6 =	vgt.f32 v34, v26;
	vm7 =	vgt.f32 v27, v24;
	v31 =	vmul.f32 v39, v39;
	v39 =	vld [tilespmem:s0+$0x20]  }
0x88: {  	v24 =	vsel vm7, v27, v24;
	v23 =	vsel vm7, v16, v23;
	v16 =	vmovc v17;
	v40 =	vmin.f32 v41, v28;
	v28 =	vld [tilespmem:s31+$0xFFFFFFE0]  }
0x89: {  	v31 =	vadd.f32 v31, v33;
	v33 =	vmul.f32 v43, v43;
	[tilespmem:s21+$0xFFFFFFC0] =	vst v40;
	v27 =	vsub.f32 v37, v14;
	v37 =	vld [tilespmem:s0+$0x1020]  }
0x8a: {  	v26 =	vsel vm6, v34, v26;
	v25 =	vsel vm6, v44, v25;
	v17 =	vmovc v36;
	v41 =	vld [tilespmem:s17+$0xFFFFEFD0];
	v34 =	vsub.f32 v38, v14  }
0x8b: {  	v32 =	vmul.f32 v32, v32;
	v31 =	vadd.f32 v33, v31;
	v36 =	vld [tilespmem:s17+$0xFFFFFFD0];
	v27 =	vmul.f32 v27, v27  }
0x8c: {  	v33 =	vsub.f32 v35, v13;
	v38 =	vld [tilespmem:s17+$0xFD0];
	v35 =	vsub.f32 v39, v15;
	v39 =	vmul.f32 v34, v34  }
0x8d: {  	s10 =	sadd.s32 $0xFFFFFFC0, s19;
	s12 =	scvt.s32.f32 s19;
	vm7 =	vgt.f32 v40, v29;
	v27 =	vadd.f32 v32, v27;
	v32 =	vmin.f32 v28, v31;
	v34 =	vld [tilespmem:s31+$0x20]  }
0x8e: {  	s10 =	scvt.s32.f32 s10;
	v33 =	vmul.f32 v33, v33;
	v42 =	vld [tilespmem:s21+$0x0];
	[tilespmem:s31+$0xFFFFFFE0] =	vst v32;
	v37 =	vsub.f32 v37, v13;
	v35 =	vmul.f32 v35, v35  }
0x8f: {  	v28 =	vadd.f32 s12, v7;
	vm6 =	vgt.f32 v32, v21;
	v41 =	vsub.f32 v41, v14;
	v43 =	vld [tilespmem:s0+$0xFFFFEFF0]  }
.Ltmp1:
0x90: {  	v44 =	vadd.f32 s10, v7;
	v36 =	vsub.f32 v36, v15;
	v31 =	vld [tilespmem:s0+$0xFFFFFFF0];
	v37 =	vmul.f32 v37, v37;
	(pc) =	sbr.rel @p1 .LBB2_5-.Ltmp1, $4  }
0x91: {  	v27 =	vadd.f32 v33, v27;
	v39 =	vadd.f32 v35, v39;
	v41 =	vmul.f32 v41, v41;
	v33 =	vld [tilespmem:s0+$0xFF0]  }
0x92: {  	v30 =	vsel vm7, v44, v30;
	v44 =	vsub.f32 v38, v13;
	v45 =	vmul.f32 v36, v36  }
0x93: {  	v29 =	vsel vm7, v40, v29;
	v38 =	vadd.f32 v37, v39;
	v36 =	vld [tilespmem:s21+$0xFFFFFFD0];
	v35 =	vmin.f32 v42, v27  }
0x94: {  	v40 =	vmul.f32 v44, v44;
	v39 =	vadd.f32 v45, v41;
	[tilespmem:s21+$0x0] =	vst v35;
	v37 =	vsub.f32 v43, v14;
	v27 =	vld [tilespmem:s31+$0x30]  }
0x95: {  	v41 =	vld [tilespmem:s17+$0x10]  }
0x96: {  	v42 =	vld [tilespmem:s17+$0xFFFFF010];
	_ =	sdelay $0x1  }
0x97: {  	v43 =	vld [tilespmem:s17+$0x1010];
	_ =	sdelay $0x2  }
0x98: {  	v41 =	vsub.f32 v41, v15;
	v42 =	vsub.f32 v42, v14  }
0x99: {  	v39 =	vadd.f32 v40, v39  }
0x9a: {  	v57 =	vsub.f32 v43, v13;
	v41 =	vmul.f32 v41, v41;
	v42 =	vmul.f32 v42, v42  }
0x9b: {  	v58 =	vld [tilespmem:s21+$0x10];
	v36 =	vmin.f32 v36, v39  }
0x9c: {  	[tilespmem:s21+$0xFFFFFFD0] =	vst v36;
	v40 =	vmul.f32 v57, v57;
	v41 =	vadd.f32 v41, v42  }
0x9d: {  	v34 =	vmin.f32 v34, v38;
	v59 =	vld [tilespmem:s22+$0xFFFFEFE0]  }
0x9e: {  	[tilespmem:s31+$0x20] =	vst v34;
	v60 =	vld [tilespmem:s22+$0xFFFFFFE0];
	v40 =	vadd.f32 v40, v41  }
0x9f: {  	v45 =	vld [tilespmem:s0+$0x30]  }
0xa0: {  	v61 =	vld [tilespmem:s22+$0xFE0];
	v39 =	vmin.f32 v58, v40  }
0xa1: {  	v31 =	vsub.f32 v31, v15;
	v21 =	vsel vm6, v32, v21;
	v51 =	vld [tilespmem:s0+$0x1030];
	[tilespmem:s2+$0x10] =	vst v39  }
0xa2: {  	v19 =	vsel vm6, v19, v20;
	vm6 =	vgt.f32 v35, v29;
	v37 =	vmul.f32 v37, v37;
	v63 =	vld [tilespmem:s22+$0xFFFFF020]  }
0xa3: {  	v29 =	vsel vm6, v35, v29;
	v42 =	vsub.f32 v59, v14;
	v43 =	vsub.f32 v60, v15;
	v44 =	vld [tilespmem:s22+$0x20]  }
0xa4: {  	v33 =	vsub.f32 v33, v13;
	vm7 =	vgt.f32 v34, v21;
	v62 =	vld [tilespmem:s0+$0xFFFFF030];
	v31 =	vmul.f32 v31, v31  }
0xa5: {  	v38 =	vsub.f32 v61, v13;
	v42 =	vmul.f32 v42, v42;
	v43 =	vmul.f32 v43, v43;
	v46 =	vld [tilespmem:s22+$0x1020]  }
0xa6: {  	v28 =	vsel vm6, v28, v30;
	v47 =	vadd.f32 v31, v37;
	v48 =	vld [tilespmem:s2+$0xFFFFFFE0];
	v56 =	vsub.f32 v45, v15  }
0xa7: {  	v35 =	vsub.f32 v51, v13;
	v50 =	vmul.f32 v38, v38;
	v49 =	vadd.f32 v43, v42  }
0xa8: {  	v21 =	vsel vm7, v34, v21;
	v52 =	vsub.f32 v63, v14;
	v53 =	vsub.f32 v44, v15  }
0xa9: {  	v33 =	vmul.f32 v33, v33;
	v40 =	vsub.f32 v62, v14;
	v58 =	vld [tilespmem:s31+$0xFFFFFFF0];
	v32 =	vadd.f32 v50, v49  }
0xaa: {  	v55 =	vsub.f32 v46, v13;
	v54 =	vmul.f32 v52, v52;
	v41 =	vmul.f32 v53, v53  }
0xab: {  	v57 =	vld [tilespmem:s2+$0x20];
	v42 =	vmul.f32 v56, v56;
	v40 =	vmul.f32 v40, v40;
	v31 =	vmin.f32 v48, v32  }
0xac: {  	v20 =	vadd.f32 v33, v47;
	[tilespmem:s2+$0xFFFFFFE0] =	vst v31;
	v38 =	vmul.f32 v55, v55;
	v37 =	vadd.f32 v41, v54  }
0xad: {  	v19 =	vsel vm7, v22, v19;
	v35 =	vmul.f32 v35, v35;
	v60 =	vadd.f32 v42, v40;
	v61 =	vld [tilespmem:s22+$0xFFFFEFF0]  }
0xae: {  	s17 =	scvt.s32.f32 s8;
	s5 =	scvt.s32.f32 s5;
	s7 =	sadd.s32 $0x10, s7;
	vm8 =	vgt.f32 v36, v26;
	v20 =	vmin.f32 v58, v20;
	v45 =	vld [tilespmem:s22+$0xFFFFFFF0];
	v59 =	vadd.f32 v38, v37  }
0xaf: {  	s19 =	scvt.s32.f32 s7;
	v62 =	vsel vm8, v36, v26;
	v33 =	vadd.f32 v35, v60;
	vm6 =	vgt.f32 v20, v24  }
0xb0: {  	v44 =	vadd.f32 s17, v7;
	v46 =	vadd.f32 s5, v7;
	v51 =	vld [tilespmem:s22+$0xFF0];
	v32 =	vmin.f32 v57, v59  }
0xb1: {  	v50 =	vadd.f32 s19, v7;
	v24 =	vsel vm6, v20, v24;
	v27 =	vmin.f32 v27, v33;
	[tilespmem:s2+$0x20] =	vst v32  }
0xb2: {  	s6 =	scvt.s32.f32 s6;
	v25 =	vsel vm8, v46, v25;
	vm7 =	vgt.f32 v27, v24;
	v23 =	vsel vm6, v44, v23;
	v47 =	vld [tilespmem:s22+$0xFFFFF030]  }
0xb3: {  	vm6 =	vgt.f32 v39, v62;
	v54 =	vsub.f32 v61, v14;
	v35 =	vsub.f32 v45, v15;
	v49 =	vld [tilespmem:s22+$0x30]  }
0xb4: {  	v48 =	vadd.f32 s6, v7;
	v24 =	vsel vm7, v27, v24;
	v53 =	vsel vm6, v50, v25;
	v52 =	vld [tilespmem:s22+$0x1030]  }
0xb5: {  	v55 =	vsub.f32 v51, v13;
	v25 =	vmul.f32 v54, v54;
	v56 =	vmul.f32 v35, v35  }
0xb6: {  	v58 =	vld [tilespmem:s2+$0xFFFFFFF0];
	v16 =	vsel vm7, v16, v23;
	v22 =	vsel vm6, v39, v62;
	vm6 =	vgt.f32 v31, v21  }
0xb7: {  	v21 =	vsel vm6, v31, v21;
	v57 =	vmul.f32 v55, v55;
	v25 =	vadd.f32 v56, v25  }
0xb8: {  	v18 =	vsel vm6, v18, v19;
	v14 =	vsub.f32 v47, v14;
	v15 =	vsub.f32 v49, v15  }
0xb9: {  	vm7 =	vlt.f32 v53, v28;
	v19 =	vadd.f32 v57, v25;
	v13 =	vsub.f32 v52, v13  }
0xba: {  	vm6 =	vgt.f32 v32, v21;
	v14 =	vmul.f32 v14, v14;
	v15 =	vmul.f32 v15, v15  }
0xbb: {  	v63 =	vld [tilespmem:s2+$0x30];
	v18 =	vsel vm6, v48, v18;
	v19 =	vmin.f32 v58, v19;
	v13 =	vmul.f32 v13, v13  }
0xbc: {  	s20 =	scvt.s32.f32 s20;
	v14 =	vadd.f32 v15, v14;
	v15 =	vsel vm6, v32, v21;
	vm6 =	veq.f32 v22, v29  }
0xbd: {  	vm12 =	vgt.f32 v22, v29;
	vm6 =	vmand vm6, vm7;
	vm7 =	vgt.f32 v19, v24  }
0xbe: {  	v13 =	vadd.f32 v13, v14;
	v14 =	vadd.f32 s20, v7;
	vm6 =	vmor vm12, vm6  }
0xbf: {  	v61 =	vsel vm7, v19, v24;
	v59 =	vsel vm6, v22, v29;
	v60 =	vsel vm6, v53, v28  }
0xc0: {  	v13 =	vmin.f32 v63, v13;
	vm6 =	veq.f32 v15, v59;
	vm13 =	vlt.f32 v18, v60  }
0xc1: {  	vm14 =	vgt.f32 v15, v59;
	vm9 =	vgt.f32 v13, v61;
	vm6 =	vmand vm6, vm13  }
0xc2: {  	v14 =	vsel vm7, v14, v16;
	v16 =	vsel vm9, v13, v61;
	vm6 =	vmor vm14, vm6  }
0xc3: {  	v14 =	vsel vm9, v17, v14;
	v15 =	vsel vm6, v15, v59;
	v17 =	vsel vm6, v18, v60  }
0xc4: {  	vm6 =	veq.f32 v16, v15;
	vm7 =	vlt.f32 v14, v17  }
0xc5: {  	vm15 =	vgt.f32 v16, v15;
	vm6 =	vmand vm6, vm7  }
0xc6: {  	vm6 =	vmor vm15, vm6  }
0xc7: {  	v15 =	vsel vm6, v16, v15  }
0xc8: {  	(xrf0) =	vmax.scan.msk.f32 $0xffff, v15;
	_ =	sdelay $0x5  }
0xc9: {  	v16, _, _ =	vpop (xrf0)  }
0xca: {  	v16 =	vbroadcast v16, $0xF;
	_ =	sdelay $0x1  }
0xcb: {  	v14 =	vsel vm6, v14, v17;
	vm6 =	veq.f32 v15, v16  }
0xcc: {  	v14 =	vnsel vm6, $0x4E6E6B28, v14  }
0xcd: {  	(xrf0) =	vmin.scan.msk.f32 $0xffff, v14;
	_ =	sdelay $0x5  }
0xce: {  	v14, _, _ =	vpop (xrf0)  }
0xcf: {  	(v2sf) =	vpush v14, $0xF;
	_ =	sdelay $0xe  }
0xd0: {  	s21 =	spop (v2sf)  }
0xd1: {  	s0 =	ssub.f32 s21, s11;
	_ =	sdelay $0x1  }
0xd2: {  	s0 =	scvt.f32.s32 s0;
	_ =	sdelay $0x1  }
0xd3: {  	v15 =	vmov s0  }
0xd4: {  	v17 =	vadd.s32 $0x2000, v15  }
0xd5: {  	[tilespmem:s31+$0xFFFFFFF0] =	vst v20;
	v62 =	vadd.s32 $0x1000, v15  }
0xd6: {  	[tilespmem:s31+$0x30] =	vst v27  }
0xd7: {  	[tilespmem:s2+$0xFFFFFFF0] =	vst v19  }
0xd8: {  	[tilespmem:s2+$0x30] =	vst v13  }
0xd9: {  	v13 =	vld.idx.msk [tilespmem:v17+s3+$0x0], $0xffff  }
0xda: {  	v17 =	vld.idx.msk [tilespmem:v62+s3+$0x0], $0xffff  }
0xdb: {  	v15 =	vld.idx.msk [tilespmem:v15+s3+$0x0], $0xffff;
	_ =	sdelay $0x2  }
0xdc: {  	s22 =	sshll.u32 s30, $0x2;
	v13 =	vsel vm0, $0x0, v13  }
0xdd: {  	v14 =	vbroadcast v14, $0xF;
	s0 =	sand.u32 $0x4, s22;
	v13 =	vsel vm1, v13, v17  }
0xde: {  	s0 =	sor.u32 s4, s0;
	v13 =	vsel vm2, v13, v15  }
0xdf: {  	s0 =	sshll.u32 s0, $0x6;
	v13 =	vsel vm3, v13, v14  }
0xe0: {  	s0 =	sadd.s32 s0, s1;
	v13 =	vsel vm4, v13, v16  }
0xe1: {  	s31 =	sadd.s32 s25, s0;
	[tilespmem:$0x4C00] =	vst v13  }
0xe2: {  	[spmem:s31] =	stream.linear.scatter [tilespmem:s26], [sflag:$0x1], $0x10, $0x38;
	[tilespmem:$0x4DA0] =	vst v63  }
0xe3: {  	_ =	swait.ge [sflag:s18], $0x10  }
0xe4: {  	[sflag:s18] =	ssyncset.done $0x0  }
0xe5: {  	[sflag:s18] =	ssyncadd.s32 $0xFFFFFFF0  }
0xe6: {  	[bflag:$0x0] =	sbarrier.arrive $0xFFFF  }
0xe7: {  	[tilespmem:s28], [sflag:$0x1] =	stream.linear.gather [spmem:s0], $0x40, $0x38;
	[tilespmem:$0x4DA0] =	vst v63  }
0xe8: {  	_ =	swait.ge [sflag:s18], $0x40  }
0xe9: {  	[sflag:s18] =	ssyncset.done $0x0  }
0xea: {  	[sflag:s18] =	ssyncadd.s32 $0xFFFFFFC0  }
0xeb: {  	v13 =	vld.idx.msk [tilespmem:v8+s28+$0x0], $0xffff;
	_ =	sdelay $0x4  }
0xec: {  	v14 =	vnsel vm5, $0xFF800000, v13  }
0xed: {  	(xrf0) =	vmax.scan.msk.f32 $0xffff, v14;
	_ =	sdelay $0x5  }
0xee: {  	v14 =	vld.idx.msk [tilespmem:v9+s28+$0x0], $0xffff;
	v15, _, _ =	vpop (xrf0)  }
0xef: {  	v15 =	vbroadcast v15, $0xF;
	_ =	sdelay $0x1  }
0xf0: {  	vm6 =	veq.f32 v13, v15  }
0xf1: {  	vm6 =	vmand vm6, vm5  }
0xf2: {  	v13 =	vnsel vm6, $0x4E6E6B28, v14  }
0xf3: {  	(xrf0) =	vmin.scan.msk.f32 $0xffff, v13;
	_ =	sdelay $0x5  }
0xf4: {  	v13 =	vld.idx.msk [tilespmem:v10+s28+$0x0], $0xffff;
	v15, _, _ =	vpop (xrf0)  }
0xf5: {  	v16 =	vld.idx.msk [tilespmem:v11+s28+$0x0], $0xffff;
	v15 =	vbroadcast v15, $0xF  }
0xf6: {  	v17 =	vld.idx.msk [tilespmem:v12+s28+$0x0], $0xffff  }
0xf7: {  	vm6 =	veq.f32 v14, v15  }
0xf8: {  	vm6 =	vmand vm6, vm5  }
0xf9: {  	v13 =	vnsel vm6, $0xFF800000, v13  }
0xfa: {  	(xrf0) =	vmax.scan.msk.f32 $0xffff, v13;
	v13 =	vnsel vm6, $0xFF800000, v16  }
0xfb: {  	s30 =	sadd.s32 $0x1, s30;
	(xrf0) =	vmax.scan.msk.f32 $0xffff, v13;
	v13 =	vnsel vm6, $0xFF800000, v17  }
0xfc: {  	v16 =	vmov s30;
	(xrf0) =	vmax.scan.msk.f32 $0xffff, v13  }
0xfd: {  	v13 =	vand.u32 $0x7FF, v16;
	_ =	sdelay $0x1  }
0xfe: {  	v17 =	vadd.s32 $0x400, v13  }
0xff: {  	p1 =	sne.s32 s30, $0x3FF;
	v63 =	vor.u32 $0x800, v16;
	v13, _, _ =	vpop (xrf0)  }
.Ltmp2:
0x100: {  	v15, _, _ =	vpop (xrf0);
	v14 =	vbroadcast v13, $0xF;
	(pc) =	sbr.rel @p1 .LBB2_4-.Ltmp2, $4  }
0x101: {  	v13, _, _ =	vpop (xrf0);
	v15 =	vbroadcast v15, $0xF  }
0x102: {  	v13 =	vbroadcast v13, $0xF;
	[tilespmem:v16+s24+$0x0] =	vst.idx.msk $0x1, v14  }
0x103: {  	[tilespmem:v17+s24+$0x0] =	vst.idx.msk $0x1, v15  }
0x104: {  	[tilespmem:v63+s24+$0x0] =	vst.idx.msk $0x1, v13  }
0x105: {  	s0 =	simm.s32 @!p0 $0x0;
	s2 =	simm.s32 @!p0 $0x4000;
	s5 =	rddreg [dreg:$0xa]  }
0x106: {  	[hbm4b:s5+s0] =	stream.linear.scatter @!p0 [tilespmem:s2], [sflag:$0x1], $0x400, $0x38;
	[tilespmem:$0x4DA0] =	vst v63  }
0x107: {  	s2 =	simm.s32 @!p0 $0x1  }
0x108: {  	_ =	swait.ge @!p0 [sflag:s2], $0x400  }
0x109: {  	[sflag:s2] =	ssyncset.done @!p0 $0x0  }
0x10a: {  	s5 =	simm.s32 @!p0 $0x4400;
	s6 =	rddreg [dreg:$0xb];
	[sflag:s2] =	ssyncadd.s32 @!p0 $0xFFFFFC00  }
0x10b: {  	[hbm4b:s6+s0] =	stream.linear.scatter @!p0 [tilespmem:s5], [sflag:$0x1], $0x400, $0x38;
	[tilespmem:$0x4DA0] =	vst v63  }
0x10c: {  	_ =	swait.ge @!p0 [sflag:s2], $0x400  }
0x10d: {  	[sflag:s2] =	ssyncset.done @!p0 $0x0  }
0x10e: {  	s5 =	simm.s32 @!p0 $0x4800;
	s6 =	rddreg [dreg:$0xc];
	[sflag:s2] =	ssyncadd.s32 @!p0 $0xFFFFFC00  }
0x10f: {  	[hbm4b:s6+s0] =	stream.linear.scatter @!p0 [tilespmem:s5], [sflag:$0x1], $0x400, $0x38;
	[tilespmem:$0x4DA0] =	vst v63  }
0x110: {  	_ =	swait.ge @!p0 [sflag:s2], $0x400  }
0x111: {  	s29 =	sadd.s32 $0x1, s29;
	s31 =	rddreg [dreg:$0xd]  }
0x112: {  	p1 =	sne.s32 s29, s31  }
.Ltmp3:
0x113: {  	_ = 	snop;
	(pc) =	sbr.rel @p1 .LBB2_1-.Ltmp3, $3  }
0x114: {  	_ =	sdelay $0x1  }
0x115: {  	[sflag:s2] =	ssyncset.done @!p0 $0x0  }
0x116: {  	[sflag:s2] =	ssyncadd.s32 @!p0 $0xFFFFFC00  }
0x117: {  	_ =	sfence.sel $0x180000  }
0x118: {  	[bflag:$0x0] =	sbarrier.arrive $0xFFFF  }
0x119: {  	_ =	strace $0x90000047  }
0x11a: {  	s0 =	stileid.u32;
	[bflag:$0x2] =	sbarrier.arrive $0xFFFF  }
0x11b: {  	p0 =	sne.s32 s0, $0x0;
	s0 =	rddreg [dreg:$0x3]  }
0x11c: {  	s0 =	sadd.s32 @!p0 $0x100000, s0  }
0x11d: {  	[sflag:s0] =	ssyncadd.tile.s32 @!p0 $0x1;
	_ =	shalt  }
.Lfunc_end2:
_tile_overlayer_lowered:
.L_overlay_start_2:
0x11e: {  	(tag) =	ssettag $0x2  }
0x11f: {  	s0 =	rddreg [dreg:$0x0];
	s2 =	stileid.u32  }
0x120: {  	s1 =	rddreg [dreg:$0x1];
	p0 =	sne.s32 s2, $0x0  }
0x121: {  	s3 =	rddreg [dreg:$0x2];
	[bflag:$0x3] =	sbarrier.arrive $0xFFFF;
	s2 =	simm.s32 @!p0 $0x1C01  }
0x122: {  	[timem:s3], [sflag:s2] =	dma.local @!p0 [hbm:s0], s1  }
0x123: {  	s0 =	simm.s32 @!p0 $0x1  }
0x124: {  	_ =	swait.ge @!p0 [sflag:s0], s1  }
0x125: {  	s1 =	ssub.s32 @!p0 $0x0, s1;
	[sflag:s0] =	ssyncset.done @!p0 $0x0  }
0x126: {  	[sflag:s0] =	ssyncadd.s32 @!p0 s1  }
0x127: {  	[bflag:$0x3] =	sbarrier.arrive $0xFFFF  }
0x128: {  	_ =	shalt  }

</sc_bundles>
